<compile_context>
chip_gen: v7x
topology: tpu7x:2x2x1
jax: 0.10.2.dev20260603
libtpu: 0.0.44.dev20260713+nightly
codegen_flags: <defaults>
</compile_context>

<pallas_src>
import functools

import jax
import jax.numpy as jnp
import numpy as np
from jax import lax
from jax.experimental import pallas as pl
from jax.experimental.pallas import tpu as pltpu
from jax.experimental.pallas import tpu_sc as plsc

_LANES = 16


def _threefry2x32_np(k1, k2, x1, x2):
    rot = [(13, 15, 26, 6), (17, 29, 16, 24)]
    ks = [np.uint32(k1), np.uint32(k2),
          np.uint32(np.uint32(k1) ^ np.uint32(k2) ^ np.uint32(0x1BD11BDA))]
    x0 = (x1 + ks[0]).astype(np.uint32)
    x1v = (x2 + ks[1]).astype(np.uint32)
    kseq = [ks[1], ks[2], ks[0]]
    rots = [rot[0], rot[1]]
    for i in range(5):
        for r in rots[0]:
            x0 = (x0 + x1v).astype(np.uint32)
            x1v = ((x1v << np.uint32(r)) | (x1v >> np.uint32(32 - r))).astype(np.uint32)
            x1v = x0 ^ x1v
        x0 = (x0 + kseq[0]).astype(np.uint32)
        x1v = (x1v + kseq[1] + np.uint32(i + 1)).astype(np.uint32)
        kseq = kseq[1:] + kseq[:1]
        rots = rots[1:] + rots[:1]
    return x0, x1v


def _random_bits_np(k, n, partitionable):
    if partitionable:
        b1, b2 = _threefry2x32_np(
            k[0], k[1], np.zeros(n, np.uint32), np.arange(n, dtype=np.uint32))
        return b1 ^ b2
    cnt = np.arange(n, dtype=np.uint32)
    if n % 2:
        cnt = np.append(cnt, np.uint32(0))
    h = len(cnt) // 2
    b1, b2 = _threefry2x32_np(k[0], k[1], cnt[:h], cnt[h:])
    return np.concatenate([b1, b2])[:n]


def _split_np(k1, k2, partitionable):
    if partitionable:
        b1, b2 = _threefry2x32_np(
            k1, k2, np.zeros(2, np.uint32), np.arange(2, dtype=np.uint32))
        return [(b1[0], b2[0]), (b1[1], b2[1])]
    b1, b2 = _threefry2x32_np(
        k1, k2, np.array([0, 1], np.uint32), np.array([2, 3], np.uint32))
    o = np.concatenate([b1, b2])
    return [(o[0], o[1]), (o[2], o[3])]


@functools.lru_cache(maxsize=None)
def _comp_ind_np(batch_size: int, num_samples: int, num_comp: int):
    partitionable = bool(jax.config.jax_threefry_partitionable)
    n = batch_size * num_samples
    khi, klo = _split_np(np.uint32(0), np.uint32(42), partitionable)
    hi_bits = _random_bits_np(khi, n, partitionable)
    lo_bits = _random_bits_np(klo, n, partitionable)
    span = np.uint32(num_comp)
    mult = np.uint32(((2 ** 16 % num_comp) ** 2 % 2 ** 32) % num_comp)
    off = ((hi_bits % span) * mult + (lo_bits % span)).astype(np.uint32) % span
    return off.astype(np.int32)


@functools.lru_cache(maxsize=None)
def _build_sc_kernel(batch: int, nsamp: int, d: int, num_comp: int):
    info = plsc.get_sparse_core_info()
    nc, ns = info.num_cores, info.num_subcores
    nw = nc * ns
    assert d % nw == 0 and batch % _LANES == 0 and num_comp % 8 == 0
    ch_pw = d // nw

    mesh = plsc.VectorSubcoreMesh(core_axis_name="c", subcore_axis_name="s")

    @functools.partial(
        pl.kernel,
        out_type=jax.ShapeDtypeStruct((nsamp, d, batch), jnp.float32),
        mesh=mesh,
        compiler_params=pltpu.CompilerParams(
            use_tc_tiling_on_sc=True, needs_layout_passes=False),
        scratch_types=[
            pltpu.VMEM((num_comp,), jnp.float32),
            pltpu.VMEM((2, batch), jnp.int32),
            pltpu.VMEM((2, batch), jnp.float32),
            pltpu.SemaphoreType.DMA((2,)),
            pltpu.SemaphoreType.DMA((2,)),
            pltpu.SemaphoreType.DMA((2,)),
        ],
    )
    def gmm(idx_hbm, noise_hbm, means_hbm, out_hbm,
            table_v, idx_v, noise_v, idx_sem, noi_sem, out_sem):
        wid = lax.axis_index("s") * nc + lax.axis_index("c")

        def idx_copy(s, sl):
            return pltpu.make_async_copy(
                idx_hbm.at[pl.ds(s * batch, batch)], idx_v.at[sl], idx_sem.at[sl])

        def noi_copy(s, c, sl):
            return pltpu.make_async_copy(
                noise_hbm.at[s, c], noise_v.at[sl], noi_sem.at[sl])

        def out_copy(s, c, sl):
            return pltpu.make_async_copy(
                noise_v.at[sl], out_hbm.at[s, c], out_sem.at[sl])

        for ci in range(ch_pw):
            c = wid + nw * ci
            pltpu.sync_copy(means_hbm.at[c], table_v)
            idx_copy(0, 0).start()
            noi_copy(0, c, 0).start()

            def sample(s, carry):
                sl = lax.rem(s, 2)
                s1 = lax.rem(s + 1, 2)

                @pl.when(s + 1 < nsamp)
                def _():
                    @pl.when(s >= 1)
                    def _():
                        out_copy(s - 1, c, s1).wait()
                    idx_copy(s + 1, s1).start()
                    noi_copy(s + 1, c, s1).start()

                idx_copy(s, sl).wait()
                noi_copy(s, c, sl).wait()

                @plsc.parallel_loop(0, batch, step=_LANES, unroll=8)
                def _(i):
                    v = pl.ds(i, _LANES)
                    iv = idx_v[sl, v]
                    g = plsc.load_gather(table_v, [iv])
                    noise_v[sl, v] = noise_v[sl, v] * 0.1 + g
                out_copy(s, c, sl).start()
                return carry

            lax.fori_loop(0, nsamp, sample, 0)
            out_copy(nsamp - 1, c, (nsamp - 1) % 2).wait()
            out_copy(nsamp - 2, c, (nsamp - 2) % 2).wait()

    return gmm


def kernel(input, noise, target_size, means):
    del input, target_size
    b, s, d = noise.shape
    num_comp = means.shape[0]
    idx_np = _comp_ind_np(b, s, num_comp)
    idx_t = jnp.asarray(np.ascontiguousarray(idx_np.reshape(b, s).T).reshape(-1))
    noise_t = jnp.transpose(noise, (1, 2, 0))
    means_t = jnp.transpose(means, (1, 0))
    out_t = _build_sc_kernel(b, s, d, num_comp)(idx_t, noise_t, means_t)
    return jnp.transpose(out_t, (2, 0, 1))

# --- scband reference (transcript-rebuilt; emitter-appended) ---
"""Pipeline reference for scband-gmm-42734924595915 (READ-ONLY COPY).

The authoritative reference and input builder live on the scoring server;
editing this copy changes nothing except your own understanding.
"""

import jax, jax.numpy as jnp
import numpy as np

NUM_COMP = 100000
NOISE_DIMS = 64
BATCH = 4096
NUM_SAMPLES = 50

def setup_inputs(seed: int = 0) -> dict:
    key = jax.random.key(seed)
    k1, k2, k3 = jax.random.split(key, 3)
    inp = jax.random.normal(k1, (BATCH, NOISE_DIMS), dtype=jnp.float32)
    noise = jax.random.normal(k2, (BATCH, NUM_SAMPLES, NOISE_DIMS), dtype=jnp.float32)
    means = jax.random.normal(k3, (NUM_COMP, NOISE_DIMS), dtype=jnp.float32)
    # target_size mirrors the torch tuple argument; target_size[1:] must multiply to noise_dims
    target_size = (BATCH, NOISE_DIMS)
    return {"input": inp, "noise": noise, "target_size": target_size, "means": means}

def reference(input, noise, target_size, means):
    batch_size, num_samples, noise_dims = noise.shape
    num_comp = means.shape[0]
    # torch code draws component indices with npr.choice inside forward; use a fixed jax key
    comp_ind = jax.random.randint(jax.random.key(42), (batch_size * num_samples,), 0, num_comp)
    selected_mean = jnp.take(means, comp_ind, axis=0)
    shifted_noise = 0.1 * noise + selected_mean.reshape(batch_size, num_samples, noise_dims)
    # target_size[1:] multiplies to noise_dims by contract, so the reshape target is
    # statically (batch_size, num_samples, noise_dims); consume target_size so the
    # dependence on the traced argument stays expressed, adding an exact zero.
    dep = jnp.asarray(target_size[1] - target_size[1], dtype=shifted_noise.dtype)
    shifted_noise = shifted_noise.reshape((batch_size, num_samples, noise_dims)) + dep
    return shifted_noise

if __name__ == "__main__":
    import jax
    _d = setup_inputs()
    print(jax.jit(kernel)(*tuple(_d.values())))

</pallas_src>

<mosaic_0001>
#map = affine_map<(d0, d1) -> (0)>
#map1 = affine_map<(d0, d1) -> (0, 0, 0)>
#map2 = affine_map<(d0, d1) -> (0, 0)>
module attributes {stable_mosaic.version = 14 : i64} {
  func.func @gmm(%arg0: i32, %arg1: i32, %arg2: memref<204800xi32, #tpu.memory_space<hbm>>, %arg3: memref<50x64x4096xf32, #tpu.memory_space<hbm>>, %arg4: memref<64x100000xf32, #tpu.memory_space<hbm>>, %arg5: memref<50x64x4096xf32, #tpu.memory_space<hbm>>, %arg6: memref<100000xf32, #tpu.memory_space<vmem>>, %arg7: memref<2x4096xi32, #tpu.memory_space<vmem>>, %arg8: memref<2x4096xf32, #tpu.memory_space<vmem>>, %arg9: memref<2x!tpu.dma_semaphore, #tpu.memory_space<semaphore_mem>>, %arg10: memref<2x!tpu.dma_semaphore, #tpu.memory_space<semaphore_mem>>, %arg11: memref<2x!tpu.dma_semaphore, #tpu.memory_space<semaphore_mem>>) attributes {dimension_semantics = [#tpu.dimension_semantics<core_parallel>, #tpu.dimension_semantics<subcore_parallel>], iteration_bounds = array<i64: 2, 16>, scalar_prefetch = 0 : i64, scratch_operands = 6 : i64, tpu.core_type = #tpu.core_type<sc_vector_subcore>, window_params = [{transform_indices = #map}, {transform_indices = #map1}, {transform_indices = #map2}, {transform_indices = #map1}]} {
    %mul3A = arith.constant 2 : i32
    %mul3A_0 = arith.muli %arg1, %mul3A : i32
    %add3A = arith.addi %mul3A_0, %arg0 : i32
    %add3A_1 = arith.constant 0 : i32
    %add3A_2 = arith.addi %add3A, %add3A_1 : i32
    "tpu.region"() ({
      %run_scoped3A = tpu.sem_alloc : memref<!tpu.dma_semaphore, #tpu.memory_space<semaphore_mem>>
      %dma_start3A_144 = arith.constant 0 : i32
      %dma_start3A_145 = tpu.memref_slice %arg4[%add3A_2, %dma_start3A_144] : memref<64x100000xf32, #tpu.memory_space<hbm>> -> memref<1x100000xf32, #tpu.memory_space<hbm>>
      %dma_start3A_146 = tpu.memref_squeeze %dma_start3A_145 : memref<1x100000xf32, #tpu.memory_space<hbm>> -> memref<100000xf32, #tpu.memory_space<hbm>>
      %dma_start3A_147 = arith.constant 0 : i32
      %dma_start3A_148 = tpu.memref_slice %arg4[%add3A_2, %dma_start3A_147] : memref<64x100000xf32, #tpu.memory_space<hbm>> -> memref<1x100000xf32, #tpu.memory_space<hbm>>
      %dma_start3A_149 = tpu.memref_squeeze %dma_start3A_148 : memref<1x100000xf32, #tpu.memory_space<hbm>> -> memref<100000xf32, #tpu.memory_space<hbm>>
      tpu.enqueue_dma source(%dma_start3A_149 : memref<100000xf32, #tpu.memory_space<hbm>>) target(%arg6 : memref<100000xf32, #tpu.memory_space<vmem>>) target_semaphore(%run_scoped3A : memref<!tpu.dma_semaphore, #tpu.memory_space<semaphore_mem>>)
      %dma_wait3A_150 = arith.constant 0 : i32
      %dma_wait3A_151 = tpu.memref_slice %arg4[%add3A_2, %dma_wait3A_150] : memref<64x100000xf32, #tpu.memory_space<hbm>> -> memref<1x100000xf32, #tpu.memory_space<hbm>>
      %dma_wait3A_152 = tpu.memref_squeeze %dma_wait3A_151 : memref<1x100000xf32, #tpu.memory_space<hbm>> -> memref<100000xf32, #tpu.memory_space<hbm>>
      %dma_wait3A_153 = arith.constant 0 : i32
      %dma_wait3A_154 = tpu.memref_slice %arg4[%add3A_2, %dma_wait3A_153] : memref<64x100000xf32, #tpu.memory_space<hbm>> -> memref<1x100000xf32, #tpu.memory_space<hbm>>
      %dma_wait3A_155 = tpu.memref_squeeze %dma_wait3A_154 : memref<1x100000xf32, #tpu.memory_space<hbm>> -> memref<100000xf32, #tpu.memory_space<hbm>>
      tpu.wait_dma2 semaphore(%run_scoped3A : memref<!tpu.dma_semaphore, #tpu.memory_space<semaphore_mem>>) src(%dma_wait3A_155 : memref<100000xf32, #tpu.memory_space<hbm>>) dst(%arg6 : memref<100000xf32, #tpu.memory_space<vmem>>)
      tpu.yield
    }) : () -> ()
    %dma_start3A = arith.constant 0 : i32
    %dma_start3A_3 = arith.constant 0 : i32
    %dma_start3A_4 = arith.constant 0 : i32
    %dma_start3A_5 = tpu.memref_slice %arg7[%dma_start3A, %dma_start3A_4] : memref<2x4096xi32, #tpu.memory_space<vmem>> -> memref<1x4096xi32, #tpu.memory_space<vmem>>
    %dma_start3A_6 = tpu.memref_squeeze %dma_start3A_5 : memref<1x4096xi32, #tpu.memory_space<vmem>> -> memref<4096xi32, #tpu.memory_space<vmem>>
    %dma_start3A_7 = arith.constant 0 : i32
    %dma_start3A_8 = tpu.memref_slice %arg2[%dma_start3A_7] : memref<204800xi32, #tpu.memory_space<hbm>> -> memref<4096xi32, #tpu.memory_space<hbm>>
    %dma_start3A_9 = tpu.memref_slice %arg9[%dma_start3A_3] : memref<2x!tpu.dma_semaphore, #tpu.memory_space<semaphore_mem>> -> memref<1x!tpu.dma_semaphore, #tpu.memory_space<semaphore_mem>>
    %dma_start3A_10 = tpu.memref_squeeze %dma_start3A_9 : memref<1x!tpu.dma_semaphore, #tpu.memory_space<semaphore_mem>> -> memref<!tpu.dma_semaphore, #tpu.memory_space<semaphore_mem>>
    %dma_start3A_11 = arith.constant 0 : i32
    %dma_start3A_12 = tpu.memref_slice %arg7[%dma_start3A, %dma_start3A_11] : memref<2x4096xi32, #tpu.memory_space<vmem>> -> memref<1x4096xi32, #tpu.memory_space<vmem>>
    %dma_start3A_13 = tpu.memref_squeeze %dma_start3A_12 : memref<1x4096xi32, #tpu.memory_space<vmem>> -> memref<4096xi32, #tpu.memory_space<vmem>>
    %dma_start3A_14 = arith.constant 0 : i32
    %dma_start3A_15 = tpu.memref_slice %arg2[%dma_start3A_14] : memref<204800xi32, #tpu.memory_space<hbm>> -> memref<4096xi32, #tpu.memory_space<hbm>>
    tpu.enqueue_dma source(%dma_start3A_15 : memref<4096xi32, #tpu.memory_space<hbm>>) target(%dma_start3A_13 : memref<4096xi32, #tpu.memory_space<vmem>>) target_semaphore(%dma_start3A_10 : memref<!tpu.dma_semaphore, #tpu.memory_space<semaphore_mem>>)
    %dma_start3A_16 = arith.constant 0 : i32
    %dma_start3A_17 = arith.constant 0 : i32
    %dma_start3A_18 = arith.constant 0 : i32
    %dma_start3A_19 = arith.constant 0 : i32
    %dma_start3A_20 = tpu.memref_slice %arg8[%dma_start3A_17, %dma_start3A_19] : memref<2x4096xf32, #tpu.memory_space<vmem>> -> memref<1x4096xf32, #tpu.memory_space<vmem>>
    %dma_start3A_21 = tpu.memref_squeeze %dma_start3A_20 : memref<1x4096xf32, #tpu.memory_space<vmem>> -> memref<4096xf32, #tpu.memory_space<vmem>>
    %dma_start3A_22 = arith.constant 0 : i32
    %dma_start3A_23 = tpu.memref_slice %arg3[%dma_start3A_16, %add3A_2, %dma_start3A_22] : memref<50x64x4096xf32, #tpu.memory_space<hbm>> -> memref<1x1x4096xf32, #tpu.memory_space<hbm>>
    %dma_start3A_24 = tpu.memref_squeeze %dma_start3A_23 : memref<1x1x4096xf32, #tpu.memory_space<hbm>> -> memref<4096xf32, #tpu.memory_space<hbm>>
    %dma_start3A_25 = tpu.memref_slice %arg10[%dma_start3A_18] : memref<2x!tpu.dma_semaphore, #tpu.memory_space<semaphore_mem>> -> memref<1x!tpu.dma_semaphore, #tpu.memory_space<semaphore_mem>>
    %dma_start3A_26 = tpu.memref_squeeze %dma_start3A_25 : memref<1x!tpu.dma_semaphore, #tpu.memory_space<semaphore_mem>> -> memref<!tpu.dma_semaphore, #tpu.memory_space<semaphore_mem>>
    %dma_start3A_27 = arith.constant 0 : i32
    %dma_start3A_28 = tpu.memref_slice %arg8[%dma_start3A_17, %dma_start3A_27] : memref<2x4096xf32, #tpu.memory_space<vmem>> -> memref<1x4096xf32, #tpu.memory_space<vmem>>
    %dma_start3A_29 = tpu.memref_squeeze %dma_start3A_28 : memref<1x4096xf32, #tpu.memory_space<vmem>> -> memref<4096xf32, #tpu.memory_space<vmem>>
    %dma_start3A_30 = arith.constant 0 : i32
    %dma_start3A_31 = tpu.memref_slice %arg3[%dma_start3A_16, %add3A_2, %dma_start3A_30] : memref<50x64x4096xf32, #tpu.memory_space<hbm>> -> memref<1x1x4096xf32, #tpu.memory_space<hbm>>
    %dma_start3A_32 = tpu.memref_squeeze %dma_start3A_31 : memref<1x1x4096xf32, #tpu.memory_space<hbm>> -> memref<4096xf32, #tpu.memory_space<hbm>>
    tpu.enqueue_dma source(%dma_start3A_32 : memref<4096xf32, #tpu.memory_space<hbm>>) target(%dma_start3A_29 : memref<4096xf32, #tpu.memory_space<vmem>>) target_semaphore(%dma_start3A_26 : memref<!tpu.dma_semaphore, #tpu.memory_space<semaphore_mem>>)
    %scan3A = arith.constant 0 : i32
    %scan3A_33 = arith.constant 0 : i32
    %scan3A_34 = arith.constant 50 : i32
    %scan3A_35 = arith.addi %scan3A_33, %scan3A_34 : i32
    %scan3A_36 = arith.constant 1 : i32
    scf.for %scan3A_144 = %scan3A_33 to %scan3A_35 step %scan3A_36  : i32 {
      %rem3A = arith.constant 2 : i32
      %rem3A_145 = arith.remsi %scan3A_144, %rem3A : i32
      %add3A_146 = arith.constant 1 : i32
      %add3A_147 = arith.addi %scan3A_144, %add3A_146 : i32
      %rem3A_148 = arith.constant 2 : i32
      %rem3A_149 = arith.remsi %add3A_147, %rem3A_148 : i32
      %add3A_150 = arith.constant 1 : i32
      %add3A_151 = arith.addi %scan3A_144, %add3A_150 : i32
      %lt3A = arith.constant 50 : i32
      %lt3A_152 = arith.cmpi slt, %add3A_151, %lt3A : i32
      %convert_element_type3A = arith.extui %lt3A_152 : i1 to i32
      %cond3A = arith.constant 0 : i32
      %cond3A_153 = arith.cmpi ne, %convert_element_type3A, %cond3A : i32
      scf.if %cond3A_153 {
        %ge3A = arith.constant 1 : i32
        %ge3A_196 = arith.cmpi sge, %scan3A_144, %ge3A : i32
        %convert_element_type3A_197 = arith.extui %ge3A_196 : i1 to i32
        %cond3A_198 = arith.constant 0 : i32
        %cond3A_199 = arith.cmpi ne, %convert_element_type3A_197, %cond3A_198 : i32
        scf.if %cond3A_199 {
          %sub3A = arith.constant 1 : i32
          %sub3A_230 = arith.subi %scan3A_144, %sub3A : i32
          %dma_wait3A_231 = arith.constant 0 : i32
          %dma_wait3A_232 = tpu.memref_slice %arg8[%rem3A_149, %dma_wait3A_231] : memref<2x4096xf32, #tpu.memory_space<vmem>> -> memref<1x4096xf32, #tpu.memory_space<vmem>>
          %dma_wait3A_233 = tpu.memref_squeeze %dma_wait3A_232 : memref<1x4096xf32, #tpu.memory_space<vmem>> -> memref<4096xf32, #tpu.memory_space<vmem>>
          %dma_wait3A_234 = arith.constant 0 : i32
          %dma_wait3A_235 = tpu.memref_slice %arg5[%sub3A_230, %add3A_2, %dma_wait3A_234] : memref<50x64x4096xf32, #tpu.memory_space<hbm>> -> memref<1x1x4096xf32, #tpu.memory_space<hbm>>
          %dma_wait3A_236 = tpu.memref_squeeze %dma_wait3A_235 : memref<1x1x4096xf32, #tpu.memory_space<hbm>> -> memref<4096xf32, #tpu.memory_space<hbm>>
          %dma_wait3A_237 = tpu.memref_slice %arg11[%rem3A_149] : memref<2x!tpu.dma_semaphore, #tpu.memory_space<semaphore_mem>> -> memref<1x!tpu.dma_semaphore, #tpu.memory_space<semaphore_mem>>
          %dma_wait3A_238 = tpu.memref_squeeze %dma_wait3A_237 : memref<1x!tpu.dma_semaphore, #tpu.memory_space<semaphore_mem>> -> memref<!tpu.dma_semaphore, #tpu.memory_space<semaphore_mem>>
          %dma_wait3A_239 = arith.constant 0 : i32
          %dma_wait3A_240 = tpu.memref_slice %arg5[%sub3A_230, %add3A_2, %dma_wait3A_239] : memref<50x64x4096xf32, #tpu.memory_space<hbm>> -> memref<1x1x4096xf32, #tpu.memory_space<hbm>>
          %dma_wait3A_241 = tpu.memref_squeeze %dma_wait3A_240 : memref<1x1x4096xf32, #tpu.memory_space<hbm>> -> memref<4096xf32, #tpu.memory_space<hbm>>
          %dma_wait3A_242 = arith.constant 0 : i32
          %dma_wait3A_243 = tpu.memref_slice %arg8[%rem3A_149, %dma_wait3A_242] : memref<2x4096xf32, #tpu.memory_space<vmem>> -> memref<1x4096xf32, #tpu.memory_space<vmem>>
          %dma_wait3A_244 = tpu.memref_squeeze %dma_wait3A_243 : memref<1x4096xf32, #tpu.memory_space<vmem>> -> memref<4096xf32, #tpu.memory_space<vmem>>
          tpu.wait_dma2 semaphore(%dma_wait3A_238 : memref<!tpu.dma_semaphore, #tpu.memory_space<semaphore_mem>>) src(%dma_wait3A_244 : memref<4096xf32, #tpu.memory_space<vmem>>) dst(%dma_wait3A_241 : memref<4096xf32, #tpu.memory_space<hbm>>)
        } else {
        }
        %add3A_200 = arith.constant 1 : i32
        %add3A_201 = arith.addi %scan3A_144, %add3A_200 : i32
        %mul3A_202 = arith.constant 4096 : i32
        %mul3A_203 = arith.muli %add3A_201, %mul3A_202 : i32
        %dma_start3A_204 = arith.constant 0 : i32
        %dma_start3A_205 = tpu.memref_slice %arg7[%rem3A_149, %dma_start3A_204] : memref<2x4096xi32, #tpu.memory_space<vmem>> -> memref<1x4096xi32, #tpu.memory_space<vmem>>
        %dma_start3A_206 = tpu.memref_squeeze %dma_start3A_205 : memref<1x4096xi32, #tpu.memory_space<vmem>> -> memref<4096xi32, #tpu.memory_space<vmem>>
        %dma_start3A_207 = tpu.memref_slice %arg2[%mul3A_203] : memref<204800xi32, #tpu.memory_space<hbm>> -> memref<4096xi32, #tpu.memory_space<hbm>>
        %dma_start3A_208 = tpu.memref_slice %arg9[%rem3A_149] : memref<2x!tpu.dma_semaphore, #tpu.memory_space<semaphore_mem>> -> memref<1x!tpu.dma_semaphore, #tpu.memory_space<semaphore_mem>>
        %dma_start3A_209 = tpu.memref_squeeze %dma_start3A_208 : memref<1x!tpu.dma_semaphore, #tpu.memory_space<semaphore_mem>> -> memref<!tpu.dma_semaphore, #tpu.memory_space<semaphore_mem>>
        %dma_start3A_210 = arith.constant 0 : i32
        %dma_start3A_211 = tpu.memref_slice %arg7[%rem3A_149, %dma_start3A_210] : memref<2x4096xi32, #tpu.memory_space<vmem>> -> memref<1x4096xi32, #tpu.memory_space<vmem>>
        %dma_start3A_212 = tpu.memref_squeeze %dma_start3A_211 : memref<1x4096xi32, #tpu.memory_space<vmem>> -> memref<4096xi32, #tpu.memory_space<vmem>>
        %dma_start3A_213 = tpu.memref_slice %arg2[%mul3A_203] : memref<204800xi32, #tpu.memory_space<hbm>> -> memref<4096xi32, #tpu.memory_space<hbm>>
        tpu.enqueue_dma source(%dma_start3A_213 : memref<4096xi32, #tpu.memory_space<hbm>>) target(%dma_start3A_212 : memref<4096xi32, #tpu.memory_space<vmem>>) target_semaphore(%dma_start3A_209 : memref<!tpu.dma_semaphore, #tpu.memory_space<semaphore_mem>>)
        %add3A_214 = arith.constant 1 : i32
        %add3A_215 = arith.addi %scan3A_144, %add3A_214 : i32
        %dma_start3A_216 = arith.constant 0 : i32
        %dma_start3A_217 = tpu.memref_slice %arg8[%rem3A_149, %dma_start3A_216] : memref<2x4096xf32, #tpu.memory_space<vmem>> -> memref<1x4096xf32, #tpu.memory_space<vmem>>
        %dma_start3A_218 = tpu.memref_squeeze %dma_start3A_217 : memref<1x4096xf32, #tpu.memory_space<vmem>> -> memref<4096xf32, #tpu.memory_space<vmem>>
        %dma_start3A_219 = arith.constant 0 : i32
        %dma_start3A_220 = tpu.memref_slice %arg3[%add3A_215, %add3A_2, %dma_start3A_219] : memref<50x64x4096xf32, #tpu.memory_space<hbm>> -> memref<1x1x4096xf32, #tpu.memory_space<hbm>>
        %dma_start3A_221 = tpu.memref_squeeze %dma_start3A_220 : memref<1x1x4096xf32, #tpu.memory_space<hbm>> -> memref<4096xf32, #tpu.memory_space<hbm>>
        %dma_start3A_222 = tpu.memref_slice %arg10[%rem3A_149] : memref<2x!tpu.dma_semaphore, #tpu.memory_space<semaphore_mem>> -> memref<1x!tpu.dma_semaphore, #tpu.memory_space<semaphore_mem>>
        %dma_start3A_223 = tpu.memref_squeeze %dma_start3A_222 : memref<1x!tpu.dma_semaphore, #tpu.memory_space<semaphore_mem>> -> memref<!tpu.dma_semaphore, #tpu.memory_space<semaphore_mem>>
        %dma_start3A_224 = arith.constant 0 : i32
        %dma_start3A_225 = tpu.memref_slice %arg8[%rem3A_149, %dma_start3A_224] : memref<2x4096xf32, #tpu.memory_space<vmem>> -> memref<1x4096xf32, #tpu.memory_space<vmem>>
        %dma_start3A_226 = tpu.memref_squeeze %dma_start3A_225 : memref<1x4096xf32, #tpu.memory_space<vmem>> -> memref<4096xf32, #tpu.memory_space<vmem>>
        %dma_start3A_227 = arith.constant 0 : i32
        %dma_start3A_228 = tpu.memref_slice %arg3[%add3A_215, %add3A_2, %dma_start3A_227] : memref<50x64x4096xf32, #tpu.memory_space<hbm>> -> memref<1x1x4096xf32, #tpu.memory_space<hbm>>
        %dma_start3A_229 = tpu.memref_squeeze %dma_start3A_228 : memref<1x1x4096xf32, #tpu.memory_space<hbm>> -> memref<4096xf32, #tpu.memory_space<hbm>>
        tpu.enqueue_dma source(%dma_start3A_229 : memref<4096xf32, #tpu.memory_space<hbm>>) target(%dma_start3A_226 : memref<4096xf32, #tpu.memory_space<vmem>>) target_semaphore(%dma_start3A_223 : memref<!tpu.dma_semaphore, #tpu.memory_space<semaphore_mem>>)
      } else {
      }
      %mul3A_154 = arith.constant 4096 : i32
      %mul3A_155 = arith.muli %scan3A_144, %mul3A_154 : i32
      %dma_wait3A_156 = arith.constant 0 : i32
      %dma_wait3A_157 = tpu.memref_slice %arg7[%rem3A_145, %dma_wait3A_156] : memref<2x4096xi32, #tpu.memory_space<vmem>> -> memref<1x4096xi32, #tpu.memory_space<vmem>>
      %dma_wait3A_158 = tpu.memref_squeeze %dma_wait3A_157 : memref<1x4096xi32, #tpu.memory_space<vmem>> -> memref<4096xi32, #tpu.memory_space<vmem>>
      %dma_wait3A_159 = tpu.memref_slice %arg2[%mul3A_155] : memref<204800xi32, #tpu.memory_space<hbm>> -> memref<4096xi32, #tpu.memory_space<hbm>>
      %dma_wait3A_160 = tpu.memref_slice %arg9[%rem3A_145] : memref<2x!tpu.dma_semaphore, #tpu.memory_space<semaphore_mem>> -> memref<1x!tpu.dma_semaphore, #tpu.memory_space<semaphore_mem>>
      %dma_wait3A_161 = tpu.memref_squeeze %dma_wait3A_160 : memref<1x!tpu.dma_semaphore, #tpu.memory_space<semaphore_mem>> -> memref<!tpu.dma_semaphore, #tpu.memory_space<semaphore_mem>>
      %dma_wait3A_162 = arith.constant 0 : i32
      %dma_wait3A_163 = tpu.memref_slice %arg7[%rem3A_145, %dma_wait3A_162] : memref<2x4096xi32, #tpu.memory_space<vmem>> -> memref<1x4096xi32, #tpu.memory_space<vmem>>
      %dma_wait3A_164 = tpu.memref_squeeze %dma_wait3A_163 : memref<1x4096xi32, #tpu.memory_space<vmem>> -> memref<4096xi32, #tpu.memory_space<vmem>>
      %dma_wait3A_165 = tpu.memref_slice %arg2[%mul3A_155] : memref<204800xi32, #tpu.memory_space<hbm>> -> memref<4096xi32, #tpu.memory_space<hbm>>
      tpu.wait_dma2 semaphore(%dma_wait3A_161 : memref<!tpu.dma_semaphore, #tpu.memory_space<semaphore_mem>>) src(%dma_wait3A_165 : memref<4096xi32, #tpu.memory_space<hbm>>) dst(%dma_wait3A_164 : memref<4096xi32, #tpu.memory_space<vmem>>)
      %dma_wait3A_166 = arith.constant 0 : i32
      %dma_wait3A_167 = tpu.memref_slice %arg8[%rem3A_145, %dma_wait3A_166] : memref<2x4096xf32, #tpu.memory_space<vmem>> -> memref<1x4096xf32, #tpu.memory_space<vmem>>
      %dma_wait3A_168 = tpu.memref_squeeze %dma_wait3A_167 : memref<1x4096xf32, #tpu.memory_space<vmem>> -> memref<4096xf32, #tpu.memory_space<vmem>>
      %dma_wait3A_169 = arith.constant 0 : i32
      %dma_wait3A_170 = tpu.memref_slice %arg3[%scan3A_144, %add3A_2, %dma_wait3A_169] : memref<50x64x4096xf32, #tpu.memory_space<hbm>> -> memref<1x1x4096xf32, #tpu.memory_space<hbm>>
      %dma_wait3A_171 = tpu.memref_squeeze %dma_wait3A_170 : memref<1x1x4096xf32, #tpu.memory_space<hbm>> -> memref<4096xf32, #tpu.memory_space<hbm>>
      %dma_wait3A_172 = tpu.memref_slice %arg10[%rem3A_145] : memref<2x!tpu.dma_semaphore, #tpu.memory_space<semaphore_mem>> -> memref<1x!tpu.dma_semaphore, #tpu.memory_space<semaphore_mem>>
      %dma_wait3A_173 = tpu.memref_squeeze %dma_wait3A_172 : memref<1x!tpu.dma_semaphore, #tpu.memory_space<semaphore_mem>> -> memref<!tpu.dma_semaphore, #tpu.memory_space<semaphore_mem>>
      %dma_wait3A_174 = arith.constant 0 : i32
      %dma_wait3A_175 = tpu.memref_slice %arg8[%rem3A_145, %dma_wait3A_174] : memref<2x4096xf32, #tpu.memory_space<vmem>> -> memref<1x4096xf32, #tpu.memory_space<vmem>>
      %dma_wait3A_176 = tpu.memref_squeeze %dma_wait3A_175 : memref<1x4096xf32, #tpu.memory_space<vmem>> -> memref<4096xf32, #tpu.memory_space<vmem>>
      %dma_wait3A_177 = arith.constant 0 : i32
      %dma_wait3A_178 = tpu.memref_slice %arg3[%scan3A_144, %add3A_2, %dma_wait3A_177] : memref<50x64x4096xf32, #tpu.memory_space<hbm>> -> memref<1x1x4096xf32, #tpu.memory_space<hbm>>
      %dma_wait3A_179 = tpu.memref_squeeze %dma_wait3A_178 : memref<1x1x4096xf32, #tpu.memory_space<hbm>> -> memref<4096xf32, #tpu.memory_space<hbm>>
      tpu.wait_dma2 semaphore(%dma_wait3A_173 : memref<!tpu.dma_semaphore, #tpu.memory_space<semaphore_mem>>) src(%dma_wait3A_179 : memref<4096xf32, #tpu.memory_space<hbm>>) dst(%dma_wait3A_176 : memref<4096xf32, #tpu.memory_space<vmem>>)
      %parallel_loop3A = arith.constant 0 : i32
      %parallel_loop3A_180 = arith.constant 4096 : i32
      %parallel_loop3A_181 = arith.constant 16 : i32
      scf.for %parallel_loop3A_196 = %parallel_loop3A to %parallel_loop3A_180 step %parallel_loop3A_181  : i32 {
        %parallel_loop3A_197 = arith.index_cast %rem3A_145 : i32 to index
        %parallel_loop3A_198 = arith.index_cast %parallel_loop3A_196 : i32 to index
        %parallel_loop3A_199 = tpu.vector_load %arg7[%parallel_loop3A_197, %parallel_loop3A_198] {strides = array<i32>} : memref<2x4096xi32, #tpu.memory_space<vmem>>, vector<16xi32>,
        %parallel_loop3A_200 = tpu.vector_load_idx %arg6[%parallel_loop3A_199] : memref<100000xf32, #tpu.memory_space<vmem>>[vector<16xi32>], vector<16xf32>,
        %parallel_loop3A_201 = arith.index_cast %rem3A_145 : i32 to index
        %parallel_loop3A_202 = arith.index_cast %parallel_loop3A_196 : i32 to index
        %parallel_loop3A_203 = tpu.vector_load %arg8[%parallel_loop3A_201, %parallel_loop3A_202] {strides = array<i32>} : memref<2x4096xf32, #tpu.memory_space<vmem>>, vector<16xf32>,
        %parallel_loop3A_204 = arith.constant 1.000000e-01 : f32
        %parallel_loop3A_205 = vector.broadcast %parallel_loop3A_204 : f32 to vector<16xf32>
        %parallel_loop3A_206 = arith.mulf %parallel_loop3A_203, %parallel_loop3A_205 : vector<16xf32>
        %parallel_loop3A_207 = arith.addf %parallel_loop3A_206, %parallel_loop3A_200 : vector<16xf32>
        %parallel_loop3A_208 = arith.index_cast %rem3A_145 : i32 to index
        %parallel_loop3A_209 = arith.index_cast %parallel_loop3A_196 : i32 to index
        %parallel_loop3A_210 = tpu.vector_load %arg8[%parallel_loop3A_208, %parallel_loop3A_209] {strides = array<i32>} : memref<2x4096xf32, #tpu.memory_space<vmem>>, vector<16xf32>,
        tpu.vector_store %arg8[%parallel_loop3A_208, %parallel_loop3A_209], %parallel_loop3A_207 {strides = array<i32>} : memref<2x4096xf32, #tpu.memory_space<vmem>>, vector<16xf32>,
      } {sc.loop_unroll_factor = 8 : i64, sc.parallel_access}
      %dma_start3A_182 = arith.constant 0 : i32
      %dma_start3A_183 = tpu.memref_slice %arg8[%rem3A_145, %dma_start3A_182] : memref<2x4096xf32, #tpu.memory_space<vmem>> -> memref<1x4096xf32, #tpu.memory_space<vmem>>
      %dma_start3A_184 = tpu.memref_squeeze %dma_start3A_183 : memref<1x4096xf32, #tpu.memory_space<vmem>> -> memref<4096xf32, #tpu.memory_space<vmem>>
      %dma_start3A_185 = arith.constant 0 : i32
      %dma_start3A_186 = tpu.memref_slice %arg5[%scan3A_144, %add3A_2, %dma_start3A_185] : memref<50x64x4096xf32, #tpu.memory_space<hbm>> -> memref<1x1x4096xf32, #tpu.memory_space<hbm>>
      %dma_start3A_187 = tpu.memref_squeeze %dma_start3A_186 : memref<1x1x4096xf32, #tpu.memory_space<hbm>> -> memref<4096xf32, #tpu.memory_space<hbm>>
      %dma_start3A_188 = tpu.memref_slice %arg11[%rem3A_145] : memref<2x!tpu.dma_semaphore, #tpu.memory_space<semaphore_mem>> -> memref<1x!tpu.dma_semaphore, #tpu.memory_space<semaphore_mem>>
      %dma_start3A_189 = tpu.memref_squeeze %dma_start3A_188 : memref<1x!tpu.dma_semaphore, #tpu.memory_space<semaphore_mem>> -> memref<!tpu.dma_semaphore, #tpu.memory_space<semaphore_mem>>
      %dma_start3A_190 = arith.constant 0 : i32
      %dma_start3A_191 = tpu.memref_slice %arg5[%scan3A_144, %add3A_2, %dma_start3A_190] : memref<50x64x4096xf32, #tpu.memory_space<hbm>> -> memref<1x1x4096xf32, #tpu.memory_space<hbm>>
      %dma_start3A_192 = tpu.memref_squeeze %dma_start3A_191 : memref<1x1x4096xf32, #tpu.memory_space<hbm>> -> memref<4096xf32, #tpu.memory_space<hbm>>
      %dma_start3A_193 = arith.constant 0 : i32
      %dma_start3A_194 = tpu.memref_slice %arg8[%rem3A_145, %dma_start3A_193] : memref<2x4096xf32, #tpu.memory_space<vmem>> -> memref<1x4096xf32, #tpu.memory_space<vmem>>
      %dma_start3A_195 = tpu.memref_squeeze %dma_start3A_194 : memref<1x4096xf32, #tpu.memory_space<vmem>> -> memref<4096xf32, #tpu.memory_space<vmem>>
      tpu.enqueue_dma source(%dma_start3A_195 : memref<4096xf32, #tpu.memory_space<vmem>>) target(%dma_start3A_192 : memref<4096xf32, #tpu.memory_space<hbm>>) target_semaphore(%dma_start3A_189 : memref<!tpu.dma_semaphore, #tpu.memory_space<semaphore_mem>>)
    }
    %scan3A_37 = arith.constant 50 : i32
    %dma_wait3A = arith.constant 1 : i32
    %dma_wait3A_38 = arith.constant 49 : i32
    %dma_wait3A_39 = arith.constant 1 : i32
    %dma_wait3A_40 = arith.constant 0 : i32
    %dma_wait3A_41 = tpu.memref_slice %arg8[%dma_wait3A, %dma_wait3A_40] : memref<2x4096xf32, #tpu.memory_space<vmem>> -> memref<1x4096xf32, #tpu.memory_space<vmem>>
    %dma_wait3A_42 = tpu.memref_squeeze %dma_wait3A_41 : memref<1x4096xf32, #tpu.memory_space<vmem>> -> memref<4096xf32, #tpu.memory_space<vmem>>
    %dma_wait3A_43 = arith.constant 0 : i32
    %dma_wait3A_44 = tpu.memref_slice %arg5[%dma_wait3A_38, %add3A_2, %dma_wait3A_43] : memref<50x64x4096xf32, #tpu.memory_space<hbm>> -> memref<1x1x4096xf32, #tpu.memory_space<hbm>>
    %dma_wait3A_45 = tpu.memref_squeeze %dma_wait3A_44 : memref<1x1x4096xf32, #tpu.memory_space<hbm>> -> memref<4096xf32, #tpu.memory_space<hbm>>
    %dma_wait3A_46 = tpu.memref_slice %arg11[%dma_wait3A_39] : memref<2x!tpu.dma_semaphore, #tpu.memory_space<semaphore_mem>> -> memref<1x!tpu.dma_semaphore, #tpu.memory_space<semaphore_mem>>
    %dma_wait3A_47 = tpu.memref_squeeze %dma_wait3A_46 : memref<1x!tpu.dma_semaphore, #tpu.memory_space<semaphore_mem>> -> memref<!tpu.dma_semaphore, #tpu.memory_space<semaphore_mem>>
    %dma_wait3A_48 = arith.constant 0 : i32
    %dma_wait3A_49 = tpu.memref_slice %arg5[%dma_wait3A_38, %add3A_2, %dma_wait3A_48] : memref<50x64x4096xf32, #tpu.memory_space<hbm>> -> memref<1x1x4096xf32, #tpu.memory_space<hbm>>
    %dma_wait3A_50 = tpu.memref_squeeze %dma_wait3A_49 : memref<1x1x4096xf32, #tpu.memory_space<hbm>> -> memref<4096xf32, #tpu.memory_space<hbm>>
    %dma_wait3A_51 = arith.constant 0 : i32
    %dma_wait3A_52 = tpu.memref_slice %arg8[%dma_wait3A, %dma_wait3A_51] : memref<2x4096xf32, #tpu.memory_space<vmem>> -> memref<1x4096xf32, #tpu.memory_space<vmem>>
    %dma_wait3A_53 = tpu.memref_squeeze %dma_wait3A_52 : memref<1x4096xf32, #tpu.memory_space<vmem>> -> memref<4096xf32, #tpu.memory_space<vmem>>
    tpu.wait_dma2 semaphore(%dma_wait3A_47 : memref<!tpu.dma_semaphore, #tpu.memory_space<semaphore_mem>>) src(%dma_wait3A_53 : memref<4096xf32, #tpu.memory_space<vmem>>) dst(%dma_wait3A_50 : memref<4096xf32, #tpu.memory_space<hbm>>)
    %dma_wait3A_54 = arith.constant 0 : i32
    %dma_wait3A_55 = arith.constant 48 : i32
    %dma_wait3A_56 = arith.constant 0 : i32
    %dma_wait3A_57 = arith.constant 0 : i32
    %dma_wait3A_58 = tpu.memref_slice %arg8[%dma_wait3A_54, %dma_wait3A_57] : memref<2x4096xf32, #tpu.memory_space<vmem>> -> memref<1x4096xf32, #tpu.memory_space<vmem>>
    %dma_wait3A_59 = tpu.memref_squeeze %dma_wait3A_58 : memref<1x4096xf32, #tpu.memory_space<vmem>> -> memref<4096xf32, #tpu.memory_space<vmem>>
    %dma_wait3A_60 = arith.constant 0 : i32
    %dma_wait3A_61 = tpu.memref_slice %arg5[%dma_wait3A_55, %add3A_2, %dma_wait3A_60] : memref<50x64x4096xf32, #tpu.memory_space<hbm>> -> memref<1x1x4096xf32, #tpu.memory_space<hbm>>
    %dma_wait3A_62 = tpu.memref_squeeze %dma_wait3A_61 : memref<1x1x4096xf32, #tpu.memory_space<hbm>> -> memref<4096xf32, #tpu.memory_space<hbm>>
    %dma_wait3A_63 = tpu.memref_slice %arg11[%dma_wait3A_56] : memref<2x!tpu.dma_semaphore, #tpu.memory_space<semaphore_mem>> -> memref<1x!tpu.dma_semaphore, #tpu.memory_space<semaphore_mem>>
    %dma_wait3A_64 = tpu.memref_squeeze %dma_wait3A_63 : memref<1x!tpu.dma_semaphore, #tpu.memory_space<semaphore_mem>> -> memref<!tpu.dma_semaphore, #tpu.memory_space<semaphore_mem>>
    %dma_wait3A_65 = arith.constant 0 : i32
    %dma_wait3A_66 = tpu.memref_slice %arg5[%dma_wait3A_55, %add3A_2, %dma_wait3A_65] : memref<50x64x4096xf32, #tpu.memory_space<hbm>> -> memref<1x1x4096xf32, #tpu.memory_space<hbm>>
    %dma_wait3A_67 = tpu.memref_squeeze %dma_wait3A_66 : memref<1x1x4096xf32, #tpu.memory_space<hbm>> -> memref<4096xf32, #tpu.memory_space<hbm>>
    %dma_wait3A_68 = arith.constant 0 : i32
    %dma_wait3A_69 = tpu.memref_slice %arg8[%dma_wait3A_54, %dma_wait3A_68] : memref<2x4096xf32, #tpu.memory_space<vmem>> -> memref<1x4096xf32, #tpu.memory_space<vmem>>
    %dma_wait3A_70 = tpu.memref_squeeze %dma_wait3A_69 : memref<1x4096xf32, #tpu.memory_space<vmem>> -> memref<4096xf32, #tpu.memory_space<vmem>>
    tpu.wait_dma2 semaphore(%dma_wait3A_64 : memref<!tpu.dma_semaphore, #tpu.memory_space<semaphore_mem>>) src(%dma_wait3A_70 : memref<4096xf32, #tpu.memory_space<vmem>>) dst(%dma_wait3A_67 : memref<4096xf32, #tpu.memory_space<hbm>>)
    %add3A_71 = arith.constant 32 : i32
    %add3A_72 = arith.addi %add3A, %add3A_71 : i32
    "tpu.region"() ({
      %run_scoped3A = tpu.sem_alloc : memref<!tpu.dma_semaphore, #tpu.memory_space<semaphore_mem>>
      %dma_start3A_144 = arith.constant 0 : i32
      %dma_start3A_145 = tpu.memref_slice %arg4[%add3A_72, %dma_start3A_144] : memref<64x100000xf32, #tpu.memory_space<hbm>> -> memref<1x100000xf32, #tpu.memory_space<hbm>>
      %dma_start3A_146 = tpu.memref_squeeze %dma_start3A_145 : memref<1x100000xf32, #tpu.memory_space<hbm>> -> memref<100000xf32, #tpu.memory_space<hbm>>
      %dma_start3A_147 = arith.constant 0 : i32
      %dma_start3A_148 = tpu.memref_slice %arg4[%add3A_72, %dma_start3A_147] : memref<64x100000xf32, #tpu.memory_space<hbm>> -> memref<1x100000xf32, #tpu.memory_space<hbm>>
      %dma_start3A_149 = tpu.memref_squeeze %dma_start3A_148 : memref<1x100000xf32, #tpu.memory_space<hbm>> -> memref<100000xf32, #tpu.memory_space<hbm>>
      tpu.enqueue_dma source(%dma_start3A_149 : memref<100000xf32, #tpu.memory_space<hbm>>) target(%arg6 : memref<100000xf32, #tpu.memory_space<vmem>>) target_semaphore(%run_scoped3A : memref<!tpu.dma_semaphore, #tpu.memory_space<semaphore_mem>>)
      %dma_wait3A_150 = arith.constant 0 : i32
      %dma_wait3A_151 = tpu.memref_slice %arg4[%add3A_72, %dma_wait3A_150] : memref<64x100000xf32, #tpu.memory_space<hbm>> -> memref<1x100000xf32, #tpu.memory_space<hbm>>
      %dma_wait3A_152 = tpu.memref_squeeze %dma_wait3A_151 : memref<1x100000xf32, #tpu.memory_space<hbm>> -> memref<100000xf32, #tpu.memory_space<hbm>>
      %dma_wait3A_153 = arith.constant 0 : i32
      %dma_wait3A_154 = tpu.memref_slice %arg4[%add3A_72, %dma_wait3A_153] : memref<64x100000xf32, #tpu.memory_space<hbm>> -> memref<1x100000xf32, #tpu.memory_space<hbm>>
      %dma_wait3A_155 = tpu.memref_squeeze %dma_wait3A_154 : memref<1x100000xf32, #tpu.memory_space<hbm>> -> memref<100000xf32, #tpu.memory_space<hbm>>
      tpu.wait_dma2 semaphore(%run_scoped3A : memref<!tpu.dma_semaphore, #tpu.memory_space<semaphore_mem>>) src(%dma_wait3A_155 : memref<100000xf32, #tpu.memory_space<hbm>>) dst(%arg6 : memref<100000xf32, #tpu.memory_space<vmem>>)
      tpu.yield
    }) : () -> ()
    %dma_start3A_73 = arith.constant 0 : i32
    %dma_start3A_74 = arith.constant 0 : i32
    %dma_start3A_75 = arith.constant 0 : i32
    %dma_start3A_76 = tpu.memref_slice %arg7[%dma_start3A_73, %dma_start3A_75] : memref<2x4096xi32, #tpu.memory_space<vmem>> -> memref<1x4096xi32, #tpu.memory_space<vmem>>
    %dma_start3A_77 = tpu.memref_squeeze %dma_start3A_76 : memref<1x4096xi32, #tpu.memory_space<vmem>> -> memref<4096xi32, #tpu.memory_space<vmem>>
    %dma_start3A_78 = arith.constant 0 : i32
    %dma_start3A_79 = tpu.memref_slice %arg2[%dma_start3A_78] : memref<204800xi32, #tpu.memory_space<hbm>> -> memref<4096xi32, #tpu.memory_space<hbm>>
    %dma_start3A_80 = tpu.memref_slice %arg9[%dma_start3A_74] : memref<2x!tpu.dma_semaphore, #tpu.memory_space<semaphore_mem>> -> memref<1x!tpu.dma_semaphore, #tpu.memory_space<semaphore_mem>>
    %dma_start3A_81 = tpu.memref_squeeze %dma_start3A_80 : memref<1x!tpu.dma_semaphore, #tpu.memory_space<semaphore_mem>> -> memref<!tpu.dma_semaphore, #tpu.memory_space<semaphore_mem>>
    %dma_start3A_82 = arith.constant 0 : i32
    %dma_start3A_83 = tpu.memref_slice %arg7[%dma_start3A_73, %dma_start3A_82] : memref<2x4096xi32, #tpu.memory_space<vmem>> -> memref<1x4096xi32, #tpu.memory_space<vmem>>
    %dma_start3A_84 = tpu.memref_squeeze %dma_start3A_83 : memref<1x4096xi32, #tpu.memory_space<vmem>> -> memref<4096xi32, #tpu.memory_space<vmem>>
    %dma_start3A_85 = arith.constant 0 : i32
    %dma_start3A_86 = tpu.memref_slice %arg2[%dma_start3A_85] : memref<204800xi32, #tpu.memory_space<hbm>> -> memref<4096xi32, #tpu.memory_space<hbm>>
    tpu.enqueue_dma source(%dma_start3A_86 : memref<4096xi32, #tpu.memory_space<hbm>>) target(%dma_start3A_84 : memref<4096xi32, #tpu.memory_space<vmem>>) target_semaphore(%dma_start3A_81 : memref<!tpu.dma_semaphore, #tpu.memory_space<semaphore_mem>>)
    %dma_start3A_87 = arith.constant 0 : i32
    %dma_start3A_88 = arith.constant 0 : i32
    %dma_start3A_89 = arith.constant 0 : i32
    %dma_start3A_90 = arith.constant 0 : i32
    %dma_start3A_91 = tpu.memref_slice %arg8[%dma_start3A_88, %dma_start3A_90] : memref<2x4096xf32, #tpu.memory_space<vmem>> -> memref<1x4096xf32, #tpu.memory_space<vmem>>
    %dma_start3A_92 = tpu.memref_squeeze %dma_start3A_91 : memref<1x4096xf32, #tpu.memory_space<vmem>> -> memref<4096xf32, #tpu.memory_space<vmem>>
    %dma_start3A_93 = arith.constant 0 : i32
    %dma_start3A_94 = tpu.memref_slice %arg3[%dma_start3A_87, %add3A_72, %dma_start3A_93] : memref<50x64x4096xf32, #tpu.memory_space<hbm>> -> memref<1x1x4096xf32, #tpu.memory_space<hbm>>
    %dma_start3A_95 = tpu.memref_squeeze %dma_start3A_94 : memref<1x1x4096xf32, #tpu.memory_space<hbm>> -> memref<4096xf32, #tpu.memory_space<hbm>>
    %dma_start3A_96 = tpu.memref_slice %arg10[%dma_start3A_89] : memref<2x!tpu.dma_semaphore, #tpu.memory_space<semaphore_mem>> -> memref<1x!tpu.dma_semaphore, #tpu.memory_space<semaphore_mem>>
    %dma_start3A_97 = tpu.memref_squeeze %dma_start3A_96 : memref<1x!tpu.dma_semaphore, #tpu.memory_space<semaphore_mem>> -> memref<!tpu.dma_semaphore, #tpu.memory_space<semaphore_mem>>
    %dma_start3A_98 = arith.constant 0 : i32
    %dma_start3A_99 = tpu.memref_slice %arg8[%dma_start3A_88, %dma_start3A_98] : memref<2x4096xf32, #tpu.memory_space<vmem>> -> memref<1x4096xf32, #tpu.memory_space<vmem>>
    %dma_start3A_100 = tpu.memref_squeeze %dma_start3A_99 : memref<1x4096xf32, #tpu.memory_space<vmem>> -> memref<4096xf32, #tpu.memory_space<vmem>>
    %dma_start3A_101 = arith.constant 0 : i32
    %dma_start3A_102 = tpu.memref_slice %arg3[%dma_start3A_87, %add3A_72, %dma_start3A_101] : memref<50x64x4096xf32, #tpu.memory_space<hbm>> -> memref<1x1x4096xf32, #tpu.memory_space<hbm>>
    %dma_start3A_103 = tpu.memref_squeeze %dma_start3A_102 : memref<1x1x4096xf32, #tpu.memory_space<hbm>> -> memref<4096xf32, #tpu.memory_space<hbm>>
    tpu.enqueue_dma source(%dma_start3A_103 : memref<4096xf32, #tpu.memory_space<hbm>>) target(%dma_start3A_100 : memref<4096xf32, #tpu.memory_space<vmem>>) target_semaphore(%dma_start3A_97 : memref<!tpu.dma_semaphore, #tpu.memory_space<semaphore_mem>>)
    %scan3A_104 = arith.constant 0 : i32
    %scan3A_105 = arith.constant 0 : i32
    %scan3A_106 = arith.constant 50 : i32
    %scan3A_107 = arith.addi %scan3A_105, %scan3A_106 : i32
    %scan3A_108 = arith.constant 1 : i32
    scf.for %scan3A_144 = %scan3A_105 to %scan3A_107 step %scan3A_108  : i32 {
      %rem3A = arith.constant 2 : i32
      %rem3A_145 = arith.remsi %scan3A_144, %rem3A : i32
      %add3A_146 = arith.constant 1 : i32
      %add3A_147 = arith.addi %scan3A_144, %add3A_146 : i32
      %rem3A_148 = arith.constant 2 : i32
      %rem3A_149 = arith.remsi %add3A_147, %rem3A_148 : i32
      %add3A_150 = arith.constant 1 : i32
      %add3A_151 = arith.addi %scan3A_144, %add3A_150 : i32
      %lt3A = arith.constant 50 : i32
      %lt3A_152 = arith.cmpi slt, %add3A_151, %lt3A : i32
      %convert_element_type3A = arith.extui %lt3A_152 : i1 to i32
      %cond3A = arith.constant 0 : i32
      %cond3A_153 = arith.cmpi ne, %convert_element_type3A, %cond3A : i32
      scf.if %cond3A_153 {
        %ge3A = arith.constant 1 : i32
        %ge3A_196 = arith.cmpi sge, %scan3A_144, %ge3A : i32
        %convert_element_type3A_197 = arith.extui %ge3A_196 : i1 to i32
        %cond3A_198 = arith.constant 0 : i32
        %cond3A_199 = arith.cmpi ne, %convert_element_type3A_197, %cond3A_198 : i32
        scf.if %cond3A_199 {
          %sub3A = arith.constant 1 : i32
          %sub3A_230 = arith.subi %scan3A_144, %sub3A : i32
          %dma_wait3A_231 = arith.constant 0 : i32
          %dma_wait3A_232 = tpu.memref_slice %arg8[%rem3A_149, %dma_wait3A_231] : memref<2x4096xf32, #tpu.memory_space<vmem>> -> memref<1x4096xf32, #tpu.memory_space<vmem>>
          %dma_wait3A_233 = tpu.memref_squeeze %dma_wait3A_232 : memref<1x4096xf32, #tpu.memory_space<vmem>> -> memref<4096xf32, #tpu.memory_space<vmem>>
          %dma_wait3A_234 = arith.constant 0 : i32
          %dma_wait3A_235 = tpu.memref_slice %arg5[%sub3A_230, %add3A_72, %dma_wait3A_234] : memref<50x64x4096xf32, #tpu.memory_space<hbm>> -> memref<1x1x4096xf32, #tpu.memory_space<hbm>>
          %dma_wait3A_236 = tpu.memref_squeeze %dma_wait3A_235 : memref<1x1x4096xf32, #tpu.memory_space<hbm>> -> memref<4096xf32, #tpu.memory_space<hbm>>
          %dma_wait3A_237 = tpu.memref_slice %arg11[%rem3A_149] : memref<2x!tpu.dma_semaphore, #tpu.memory_space<semaphore_mem>> -> memref<1x!tpu.dma_semaphore, #tpu.memory_space<semaphore_mem>>
          %dma_wait3A_238 = tpu.memref_squeeze %dma_wait3A_237 : memref<1x!tpu.dma_semaphore, #tpu.memory_space<semaphore_mem>> -> memref<!tpu.dma_semaphore, #tpu.memory_space<semaphore_mem>>
          %dma_wait3A_239 = arith.constant 0 : i32
          %dma_wait3A_240 = tpu.memref_slice %arg5[%sub3A_230, %add3A_72, %dma_wait3A_239] : memref<50x64x4096xf32, #tpu.memory_space<hbm>> -> memref<1x1x4096xf32, #tpu.memory_space<hbm>>
          %dma_wait3A_241 = tpu.memref_squeeze %dma_wait3A_240 : memref<1x1x4096xf32, #tpu.memory_space<hbm>> -> memref<4096xf32, #tpu.memory_space<hbm>>
          %dma_wait3A_242 = arith.constant 0 : i32
          %dma_wait3A_243 = tpu.memref_slice %arg8[%rem3A_149, %dma_wait3A_242] : memref<2x4096xf32, #tpu.memory_space<vmem>> -> memref<1x4096xf32, #tpu.memory_space<vmem>>
          %dma_wait3A_244 = tpu.memref_squeeze %dma_wait3A_243 : memref<1x4096xf32, #tpu.memory_space<vmem>> -> memref<4096xf32, #tpu.memory_space<vmem>>
          tpu.wait_dma2 semaphore(%dma_wait3A_238 : memref<!tpu.dma_semaphore, #tpu.memory_space<semaphore_mem>>) src(%dma_wait3A_244 : memref<4096xf32, #tpu.memory_space<vmem>>) dst(%dma_wait3A_241 : memref<4096xf32, #tpu.memory_space<hbm>>)
        } else {
        }
        %add3A_200 = arith.constant 1 : i32
        %add3A_201 = arith.addi %scan3A_144, %add3A_200 : i32
        %mul3A_202 = arith.constant 4096 : i32
        %mul3A_203 = arith.muli %add3A_201, %mul3A_202 : i32
        %dma_start3A_204 = arith.constant 0 : i32
        %dma_start3A_205 = tpu.memref_slice %arg7[%rem3A_149, %dma_start3A_204] : memref<2x4096xi32, #tpu.memory_space<vmem>> -> memref<1x4096xi32, #tpu.memory_space<vmem>>
        %dma_start3A_206 = tpu.memref_squeeze %dma_start3A_205 : memref<1x4096xi32, #tpu.memory_space<vmem>> -> memref<4096xi32, #tpu.memory_space<vmem>>
        %dma_start3A_207 = tpu.memref_slice %arg2[%mul3A_203] : memref<204800xi32, #tpu.memory_space<hbm>> -> memref<4096xi32, #tpu.memory_space<hbm>>
        %dma_start3A_208 = tpu.memref_slice %arg9[%rem3A_149] : memref<2x!tpu.dma_semaphore, #tpu.memory_space<semaphore_mem>> -> memref<1x!tpu.dma_semaphore, #tpu.memory_space<semaphore_mem>>
        %dma_start3A_209 = tpu.memref_squeeze %dma_start3A_208 : memref<1x!tpu.dma_semaphore, #tpu.memory_space<semaphore_mem>> -> memref<!tpu.dma_semaphore, #tpu.memory_space<semaphore_mem>>
        %dma_start3A_210 = arith.constant 0 : i32
        %dma_start3A_211 = tpu.memref_slice %arg7[%rem3A_149, %dma_start3A_210] : memref<2x4096xi32, #tpu.memory_space<vmem>> -> memref<1x4096xi32, #tpu.memory_space<vmem>>
        %dma_start3A_212 = tpu.memref_squeeze %dma_start3A_211 : memref<1x4096xi32, #tpu.memory_space<vmem>> -> memref<4096xi32, #tpu.memory_space<vmem>>
        %dma_start3A_213 = tpu.memref_slice %arg2[%mul3A_203] : memref<204800xi32, #tpu.memory_space<hbm>> -> memref<4096xi32, #tpu.memory_space<hbm>>
        tpu.enqueue_dma source(%dma_start3A_213 : memref<4096xi32, #tpu.memory_space<hbm>>) target(%dma_start3A_212 : memref<4096xi32, #tpu.memory_space<vmem>>) target_semaphore(%dma_start3A_209 : memref<!tpu.dma_semaphore, #tpu.memory_space<semaphore_mem>>)
        %add3A_214 = arith.constant 1 : i32
        %add3A_215 = arith.addi %scan3A_144, %add3A_214 : i32
        %dma_start3A_216 = arith.constant 0 : i32
        %dma_start3A_217 = tpu.memref_slice %arg8[%rem3A_149, %dma_start3A_216] : memref<2x4096xf32, #tpu.memory_space<vmem>> -> memref<1x4096xf32, #tpu.memory_space<vmem>>
        %dma_start3A_218 = tpu.memref_squeeze %dma_start3A_217 : memref<1x4096xf32, #tpu.memory_space<vmem>> -> memref<4096xf32, #tpu.memory_space<vmem>>
        %dma_start3A_219 = arith.constant 0 : i32
        %dma_start3A_220 = tpu.memref_slice %arg3[%add3A_215, %add3A_72, %dma_start3A_219] : memref<50x64x4096xf32, #tpu.memory_space<hbm>> -> memref<1x1x4096xf32, #tpu.memory_space<hbm>>
        %dma_start3A_221 = tpu.memref_squeeze %dma_start3A_220 : memref<1x1x4096xf32, #tpu.memory_space<hbm>> -> memref<4096xf32, #tpu.memory_space<hbm>>
        %dma_start3A_222 = tpu.memref_slice %arg10[%rem3A_149] : memref<2x!tpu.dma_semaphore, #tpu.memory_space<semaphore_mem>> -> memref<1x!tpu.dma_semaphore, #tpu.memory_space<semaphore_mem>>
        %dma_start3A_223 = tpu.memref_squeeze %dma_start3A_222 : memref<1x!tpu.dma_semaphore, #tpu.memory_space<semaphore_mem>> -> memref<!tpu.dma_semaphore, #tpu.memory_space<semaphore_mem>>
        %dma_start3A_224 = arith.constant 0 : i32
        %dma_start3A_225 = tpu.memref_slice %arg8[%rem3A_149, %dma_start3A_224] : memref<2x4096xf32, #tpu.memory_space<vmem>> -> memref<1x4096xf32, #tpu.memory_space<vmem>>
        %dma_start3A_226 = tpu.memref_squeeze %dma_start3A_225 : memref<1x4096xf32, #tpu.memory_space<vmem>> -> memref<4096xf32, #tpu.memory_space<vmem>>
        %dma_start3A_227 = arith.constant 0 : i32
        %dma_start3A_228 = tpu.memref_slice %arg3[%add3A_215, %add3A_72, %dma_start3A_227] : memref<50x64x4096xf32, #tpu.memory_space<hbm>> -> memref<1x1x4096xf32, #tpu.memory_space<hbm>>
        %dma_start3A_229 = tpu.memref_squeeze %dma_start3A_228 : memref<1x1x4096xf32, #tpu.memory_space<hbm>> -> memref<4096xf32, #tpu.memory_space<hbm>>
        tpu.enqueue_dma source(%dma_start3A_229 : memref<4096xf32, #tpu.memory_space<hbm>>) target(%dma_start3A_226 : memref<4096xf32, #tpu.memory_space<vmem>>) target_semaphore(%dma_start3A_223 : memref<!tpu.dma_semaphore, #tpu.memory_space<semaphore_mem>>)
      } else {
      }
      %mul3A_154 = arith.constant 4096 : i32
      %mul3A_155 = arith.muli %scan3A_144, %mul3A_154 : i32
      %dma_wait3A_156 = arith.constant 0 : i32
      %dma_wait3A_157 = tpu.memref_slice %arg7[%rem3A_145, %dma_wait3A_156] : memref<2x4096xi32, #tpu.memory_space<vmem>> -> memref<1x4096xi32, #tpu.memory_space<vmem>>
      %dma_wait3A_158 = tpu.memref_squeeze %dma_wait3A_157 : memref<1x4096xi32, #tpu.memory_space<vmem>> -> memref<4096xi32, #tpu.memory_space<vmem>>
      %dma_wait3A_159 = tpu.memref_slice %arg2[%mul3A_155] : memref<204800xi32, #tpu.memory_space<hbm>> -> memref<4096xi32, #tpu.memory_space<hbm>>
      %dma_wait3A_160 = tpu.memref_slice %arg9[%rem3A_145] : memref<2x!tpu.dma_semaphore, #tpu.memory_space<semaphore_mem>> -> memref<1x!tpu.dma_semaphore, #tpu.memory_space<semaphore_mem>>
      %dma_wait3A_161 = tpu.memref_squeeze %dma_wait3A_160 : memref<1x!tpu.dma_semaphore, #tpu.memory_space<semaphore_mem>> -> memref<!tpu.dma_semaphore, #tpu.memory_space<semaphore_mem>>
      %dma_wait3A_162 = arith.constant 0 : i32
      %dma_wait3A_163 = tpu.memref_slice %arg7[%rem3A_145, %dma_wait3A_162] : memref<2x4096xi32, #tpu.memory_space<vmem>> -> memref<1x4096xi32, #tpu.memory_space<vmem>>
      %dma_wait3A_164 = tpu.memref_squeeze %dma_wait3A_163 : memref<1x4096xi32, #tpu.memory_space<vmem>> -> memref<4096xi32, #tpu.memory_space<vmem>>
      %dma_wait3A_165 = tpu.memref_slice %arg2[%mul3A_155] : memref<204800xi32, #tpu.memory_space<hbm>> -> memref<4096xi32, #tpu.memory_space<hbm>>
      tpu.wait_dma2 semaphore(%dma_wait3A_161 : memref<!tpu.dma_semaphore, #tpu.memory_space<semaphore_mem>>) src(%dma_wait3A_165 : memref<4096xi32, #tpu.memory_space<hbm>>) dst(%dma_wait3A_164 : memref<4096xi32, #tpu.memory_space<vmem>>)
      %dma_wait3A_166 = arith.constant 0 : i32
      %dma_wait3A_167 = tpu.memref_slice %arg8[%rem3A_145, %dma_wait3A_166] : memref<2x4096xf32, #tpu.memory_space<vmem>> -> memref<1x4096xf32, #tpu.memory_space<vmem>>
      %dma_wait3A_168 = tpu.memref_squeeze %dma_wait3A_167 : memref<1x4096xf32, #tpu.memory_space<vmem>> -> memref<4096xf32, #tpu.memory_space<vmem>>
      %dma_wait3A_169 = arith.constant 0 : i32
      %dma_wait3A_170 = tpu.memref_slice %arg3[%scan3A_144, %add3A_72, %dma_wait3A_169] : memref<50x64x4096xf32, #tpu.memory_space<hbm>> -> memref<1x1x4096xf32, #tpu.memory_space<hbm>>
      %dma_wait3A_171 = tpu.memref_squeeze %dma_wait3A_170 : memref<1x1x4096xf32, #tpu.memory_space<hbm>> -> memref<4096xf32, #tpu.memory_space<hbm>>
      %dma_wait3A_172 = tpu.memref_slice %arg10[%rem3A_145] : memref<2x!tpu.dma_semaphore, #tpu.memory_space<semaphore_mem>> -> memref<1x!tpu.dma_semaphore, #tpu.memory_space<semaphore_mem>>
      %dma_wait3A_173 = tpu.memref_squeeze %dma_wait3A_172 : memref<1x!tpu.dma_semaphore, #tpu.memory_space<semaphore_mem>> -> memref<!tpu.dma_semaphore, #tpu.memory_space<semaphore_mem>>
      %dma_wait3A_174 = arith.constant 0 : i32
      %dma_wait3A_175 = tpu.memref_slice %arg8[%rem3A_145, %dma_wait3A_174] : memref<2x4096xf32, #tpu.memory_space<vmem>> -> memref<1x4096xf32, #tpu.memory_space<vmem>>
      %dma_wait3A_176 = tpu.memref_squeeze %dma_wait3A_175 : memref<1x4096xf32, #tpu.memory_space<vmem>> -> memref<4096xf32, #tpu.memory_space<vmem>>
      %dma_wait3A_177 = arith.constant 0 : i32
      %dma_wait3A_178 = tpu.memref_slice %arg3[%scan3A_144, %add3A_72, %dma_wait3A_177] : memref<50x64x4096xf32, #tpu.memory_space<hbm>> -> memref<1x1x4096xf32, #tpu.memory_space<hbm>>
      %dma_wait3A_179 = tpu.memref_squeeze %dma_wait3A_178 : memref<1x1x4096xf32, #tpu.memory_space<hbm>> -> memref<4096xf32, #tpu.memory_space<hbm>>
      tpu.wait_dma2 semaphore(%dma_wait3A_173 : memref<!tpu.dma_semaphore, #tpu.memory_space<semaphore_mem>>) src(%dma_wait3A_179 : memref<4096xf32, #tpu.memory_space<hbm>>) dst(%dma_wait3A_176 : memref<4096xf32, #tpu.memory_space<vmem>>)
      %parallel_loop3A = arith.constant 0 : i32
      %parallel_loop3A_180 = arith.constant 4096 : i32
      %parallel_loop3A_181 = arith.constant 16 : i32
      scf.for %parallel_loop3A_196 = %parallel_loop3A to %parallel_loop3A_180 step %parallel_loop3A_181  : i32 {
        %parallel_loop3A_197 = arith.index_cast %rem3A_145 : i32 to index
        %parallel_loop3A_198 = arith.index_cast %parallel_loop3A_196 : i32 to index
        %parallel_loop3A_199 = tpu.vector_load %arg7[%parallel_loop3A_197, %parallel_loop3A_198] {strides = array<i32>} : memref<2x4096xi32, #tpu.memory_space<vmem>>, vector<16xi32>,
        %parallel_loop3A_200 = tpu.vector_load_idx %arg6[%parallel_loop3A_199] : memref<100000xf32, #tpu.memory_space<vmem>>[vector<16xi32>], vector<16xf32>,
        %parallel_loop3A_201 = arith.index_cast %rem3A_145 : i32 to index
        %parallel_loop3A_202 = arith.index_cast %parallel_loop3A_196 : i32 to index
        %parallel_loop3A_203 = tpu.vector_load %arg8[%parallel_loop3A_201, %parallel_loop3A_202] {strides = array<i32>} : memref<2x4096xf32, #tpu.memory_space<vmem>>, vector<16xf32>,
        %parallel_loop3A_204 = arith.constant 1.000000e-01 : f32
        %parallel_loop3A_205 = vector.broadcast %parallel_loop3A_204 : f32 to vector<16xf32>
        %parallel_loop3A_206 = arith.mulf %parallel_loop3A_203, %parallel_loop3A_205 : vector<16xf32>
        %parallel_loop3A_207 = arith.addf %parallel_loop3A_206, %parallel_loop3A_200 : vector<16xf32>
        %parallel_loop3A_208 = arith.index_cast %rem3A_145 : i32 to index
        %parallel_loop3A_209 = arith.index_cast %parallel_loop3A_196 : i32 to index
        %parallel_loop3A_210 = tpu.vector_load %arg8[%parallel_loop3A_208, %parallel_loop3A_209] {strides = array<i32>} : memref<2x4096xf32, #tpu.memory_space<vmem>>, vector<16xf32>,
        tpu.vector_store %arg8[%parallel_loop3A_208, %parallel_loop3A_209], %parallel_loop3A_207 {strides = array<i32>} : memref<2x4096xf32, #tpu.memory_space<vmem>>, vector<16xf32>,
      } {sc.loop_unroll_factor = 8 : i64, sc.parallel_access}
      %dma_start3A_182 = arith.constant 0 : i32
      %dma_start3A_183 = tpu.memref_slice %arg8[%rem3A_145, %dma_start3A_182] : memref<2x4096xf32, #tpu.memory_space<vmem>> -> memref<1x4096xf32, #tpu.memory_space<vmem>>
      %dma_start3A_184 = tpu.memref_squeeze %dma_start3A_183 : memref<1x4096xf32, #tpu.memory_space<vmem>> -> memref<4096xf32, #tpu.memory_space<vmem>>
      %dma_start3A_185 = arith.constant 0 : i32
      %dma_start3A_186 = tpu.memref_slice %arg5[%scan3A_144, %add3A_72, %dma_start3A_185] : memref<50x64x4096xf32, #tpu.memory_space<hbm>> -> memref<1x1x4096xf32, #tpu.memory_space<hbm>>
      %dma_start3A_187 = tpu.memref_squeeze %dma_start3A_186 : memref<1x1x4096xf32, #tpu.memory_space<hbm>> -> memref<4096xf32, #tpu.memory_space<hbm>>
      %dma_start3A_188 = tpu.memref_slice %arg11[%rem3A_145] : memref<2x!tpu.dma_semaphore, #tpu.memory_space<semaphore_mem>> -> memref<1x!tpu.dma_semaphore, #tpu.memory_space<semaphore_mem>>
      %dma_start3A_189 = tpu.memref_squeeze %dma_start3A_188 : memref<1x!tpu.dma_semaphore, #tpu.memory_space<semaphore_mem>> -> memref<!tpu.dma_semaphore, #tpu.memory_space<semaphore_mem>>
      %dma_start3A_190 = arith.constant 0 : i32
      %dma_start3A_191 = tpu.memref_slice %arg5[%scan3A_144, %add3A_72, %dma_start3A_190] : memref<50x64x4096xf32, #tpu.memory_space<hbm>> -> memref<1x1x4096xf32, #tpu.memory_space<hbm>>
      %dma_start3A_192 = tpu.memref_squeeze %dma_start3A_191 : memref<1x1x4096xf32, #tpu.memory_space<hbm>> -> memref<4096xf32, #tpu.memory_space<hbm>>
      %dma_start3A_193 = arith.constant 0 : i32
      %dma_start3A_194 = tpu.memref_slice %arg8[%rem3A_145, %dma_start3A_193] : memref<2x4096xf32, #tpu.memory_space<vmem>> -> memref<1x4096xf32, #tpu.memory_space<vmem>>
      %dma_start3A_195 = tpu.memref_squeeze %dma_start3A_194 : memref<1x4096xf32, #tpu.memory_space<vmem>> -> memref<4096xf32, #tpu.memory_space<vmem>>
      tpu.enqueue_dma source(%dma_start3A_195 : memref<4096xf32, #tpu.memory_space<vmem>>) target(%dma_start3A_192 : memref<4096xf32, #tpu.memory_space<hbm>>) target_semaphore(%dma_start3A_189 : memref<!tpu.dma_semaphore, #tpu.memory_space<semaphore_mem>>)
    }
    %scan3A_109 = arith.constant 50 : i32
    %dma_wait3A_110 = arith.constant 1 : i32
    %dma_wait3A_111 = arith.constant 49 : i32
    %dma_wait3A_112 = arith.constant 1 : i32
    %dma_wait3A_113 = arith.constant 0 : i32
    %dma_wait3A_114 = tpu.memref_slice %arg8[%dma_wait3A_110, %dma_wait3A_113] : memref<2x4096xf32, #tpu.memory_space<vmem>> -> memref<1x4096xf32, #tpu.memory_space<vmem>>
    %dma_wait3A_115 = tpu.memref_squeeze %dma_wait3A_114 : memref<1x4096xf32, #tpu.memory_space<vmem>> -> memref<4096xf32, #tpu.memory_space<vmem>>
    %dma_wait3A_116 = arith.constant 0 : i32
    %dma_wait3A_117 = tpu.memref_slice %arg5[%dma_wait3A_111, %add3A_72, %dma_wait3A_116] : memref<50x64x4096xf32, #tpu.memory_space<hbm>> -> memref<1x1x4096xf32, #tpu.memory_space<hbm>>
    %dma_wait3A_118 = tpu.memref_squeeze %dma_wait3A_117 : memref<1x1x4096xf32, #tpu.memory_space<hbm>> -> memref<4096xf32, #tpu.memory_space<hbm>>
    %dma_wait3A_119 = tpu.memref_slice %arg11[%dma_wait3A_112] : memref<2x!tpu.dma_semaphore, #tpu.memory_space<semaphore_mem>> -> memref<1x!tpu.dma_semaphore, #tpu.memory_space<semaphore_mem>>
    %dma_wait3A_120 = tpu.memref_squeeze %dma_wait3A_119 : memref<1x!tpu.dma_semaphore, #tpu.memory_space<semaphore_mem>> -> memref<!tpu.dma_semaphore, #tpu.memory_space<semaphore_mem>>
    %dma_wait3A_121 = arith.constant 0 : i32
    %dma_wait3A_122 = tpu.memref_slice %arg5[%dma_wait3A_111, %add3A_72, %dma_wait3A_121] : memref<50x64x4096xf32, #tpu.memory_space<hbm>> -> memref<1x1x4096xf32, #tpu.memory_space<hbm>>
    %dma_wait3A_123 = tpu.memref_squeeze %dma_wait3A_122 : memref<1x1x4096xf32, #tpu.memory_space<hbm>> -> memref<4096xf32, #tpu.memory_space<hbm>>
    %dma_wait3A_124 = arith.constant 0 : i32
    %dma_wait3A_125 = tpu.memref_slice %arg8[%dma_wait3A_110, %dma_wait3A_124] : memref<2x4096xf32, #tpu.memory_space<vmem>> -> memref<1x4096xf32, #tpu.memory_space<vmem>>
    %dma_wait3A_126 = tpu.memref_squeeze %dma_wait3A_125 : memref<1x4096xf32, #tpu.memory_space<vmem>> -> memref<4096xf32, #tpu.memory_space<vmem>>
    tpu.wait_dma2 semaphore(%dma_wait3A_120 : memref<!tpu.dma_semaphore, #tpu.memory_space<semaphore_mem>>) src(%dma_wait3A_126 : memref<4096xf32, #tpu.memory_space<vmem>>) dst(%dma_wait3A_123 : memref<4096xf32, #tpu.memory_space<hbm>>)
    %dma_wait3A_127 = arith.constant 0 : i32
    %dma_wait3A_128 = arith.constant 48 : i32
    %dma_wait3A_129 = arith.constant 0 : i32
    %dma_wait3A_130 = arith.constant 0 : i32
    %dma_wait3A_131 = tpu.memref_slice %arg8[%dma_wait3A_127, %dma_wait3A_130] : memref<2x4096xf32, #tpu.memory_space<vmem>> -> memref<1x4096xf32, #tpu.memory_space<vmem>>
    %dma_wait3A_132 = tpu.memref_squeeze %dma_wait3A_131 : memref<1x4096xf32, #tpu.memory_space<vmem>> -> memref<4096xf32, #tpu.memory_space<vmem>>
    %dma_wait3A_133 = arith.constant 0 : i32
    %dma_wait3A_134 = tpu.memref_slice %arg5[%dma_wait3A_128, %add3A_72, %dma_wait3A_133] : memref<50x64x4096xf32, #tpu.memory_space<hbm>> -> memref<1x1x4096xf32, #tpu.memory_space<hbm>>
    %dma_wait3A_135 = tpu.memref_squeeze %dma_wait3A_134 : memref<1x1x4096xf32, #tpu.memory_space<hbm>> -> memref<4096xf32, #tpu.memory_space<hbm>>
    %dma_wait3A_136 = tpu.memref_slice %arg11[%dma_wait3A_129] : memref<2x!tpu.dma_semaphore, #tpu.memory_space<semaphore_mem>> -> memref<1x!tpu.dma_semaphore, #tpu.memory_space<semaphore_mem>>
    %dma_wait3A_137 = tpu.memref_squeeze %dma_wait3A_136 : memref<1x!tpu.dma_semaphore, #tpu.memory_space<semaphore_mem>> -> memref<!tpu.dma_semaphore, #tpu.memory_space<semaphore_mem>>
    %dma_wait3A_138 = arith.constant 0 : i32
    %dma_wait3A_139 = tpu.memref_slice %arg5[%dma_wait3A_128, %add3A_72, %dma_wait3A_138] : memref<50x64x4096xf32, #tpu.memory_space<hbm>> -> memref<1x1x4096xf32, #tpu.memory_space<hbm>>
    %dma_wait3A_140 = tpu.memref_squeeze %dma_wait3A_139 : memref<1x1x4096xf32, #tpu.memory_space<hbm>> -> memref<4096xf32, #tpu.memory_space<hbm>>
    %dma_wait3A_141 = arith.constant 0 : i32
    %dma_wait3A_142 = tpu.memref_slice %arg8[%dma_wait3A_127, %dma_wait3A_141] : memref<2x4096xf32, #tpu.memory_space<vmem>> -> memref<1x4096xf32, #tpu.memory_space<vmem>>
    %dma_wait3A_143 = tpu.memref_squeeze %dma_wait3A_142 : memref<1x4096xf32, #tpu.memory_space<vmem>> -> memref<4096xf32, #tpu.memory_space<vmem>>
    tpu.wait_dma2 semaphore(%dma_wait3A_137 : memref<!tpu.dma_semaphore, #tpu.memory_space<semaphore_mem>>) src(%dma_wait3A_143 : memref<4096xf32, #tpu.memory_space<vmem>>) dst(%dma_wait3A_140 : memref<4096xf32, #tpu.memory_space<hbm>>)
    return
  }
}

</mosaic_0001>

<sc_bundles>
// kernel: kernel.3.cloned.1.call-start
scs
__scs_entry_jumppad:
0x0: {  	(pc) =	sbr.rel $0x88, $3  }
0x1: {  	(tag) =	ssettag $0x0;
	lr =	simm.s32 $0x1  }
0x2: {  	[smem:$0x3F9F] =	sst lr;
	_ =	strace $0xD0000000  }
0x3: {  	_ = 	snop  }
0x4: {  	_ = 	snop  }
0x5: {  	_ = 	snop  }
0x6: {  	_ = 	snop  }
0x7: {  	_ = 	snop  }
__scs_overlays_trampoline_lowered:
0x8: {  	[smem:$0x3FAE] =	sst s0  }
0x9: {  	[smem:$0x3FAF] =	sst s1  }
0xa: {  	[smem:$0x3FB0] =	sst s2  }
0xb: {  	[smem:$0x3FB1] =	sst s3  }
0xc: {  	[smem:$0x3FB2] =	sst s4  }
0xd: {  	[smem:$0x3FB3] =	sst s5  }
0xe: {  	[smem:$0x3FB4] =	sst s6  }
0xf: {  	[smem:$0x3FB5] =	sst s7  }
0x10: {  	[smem:$0x3FB6] =	sst s8  }
0x11: {  	[smem:$0x3FB7] =	sst s9;
	s0 =	simm.s32 @!p0 $0x0  }
0x12: {  	s1 =	sld [smem:$0x3F9D];
	s0 =	simm.s32 @p0 $0x1  }
0x13: {  	[smem:$0x3FB8] =	sst s0;
	s0 =	simm.s32 @!p1 $0x0  }
0x14: {  	s2 =	sld [smem:$0x3F9C];
	s0 =	simm.s32 @p1 $0x1  }
0x15: {  	[smem:$0x3FB9] =	sst s0;
	s0 =	simm.s32 @!p2 $0x0  }
0x16: {  	s3 =	sld [smem:$0x3FDB];
	s0 =	simm.s32 @p2 $0x1  }
0x17: {  	s4 =	simm.s32 $0x1BF5;
	[smem:$0x3FBB] =	sst s0  }
0x18: {  	s0 =	sld [smem:$0x3F9E];
	_ =	swait.ge [sflag:s4], $0x0  }
0x19: {  	s7 =	sld [smem:$0x3F9F]  }
0x1a: {  	s8 =	sadd.s32 $0xFFFFE003, lr  }
0x1b: {  	s9 =	sadd.s32 $0xFFFFFEF7, lr;
	s5 =	simm.s32 $0xFFFFFFFF;
	p2 =	slt.u32 s8, $0xFFFFF086  }
0x1c: {  	p1 =	slt.u32 s9, $0xF7A;
	s5 =	simm.s32 @!p2 $0x0  }
0x1d: {  	s5 =	simm.s32 @p1 $0x1;
	p0 =	seq.s32 s7, s2  }
0x1e: {  	s7 =	smul.u32 @!p0 $0xF7A, s2;
	p2 =	seq.s32 @!p0 s5, $0x0  }
0x1f: {  	s9 =	smul.u32 $0xF7A, s1;
	s8 =	simm.s32 @!p0 $0x1BF5;
	p2 =	por !p2, p0  }
0x20: {  	[sflag:s8] =	ssyncset.s32 @!p0 $0xFFFFF086;
	s6 =	sadd.s32 @!p0 s3, s7;
	s7 =	simm.s32 @!p0 $0x108  }
0x21: {  	s3 =	sadd.s32 s3, s9;
	s6 =	sadd.s32 @!p0 $0x88, s6;
	s7 =	simm.s32 @p2 $0x1082  }
0x22: {  	[simem:s7], [sflag:s8] =	dma.local @!p0 [hbm:s6], $0xF7A  }
0x23: {  	s9 =	sor.u32 $0xD0000000, s2;
	s6 =	simm.s32 $0x108;
	_ =	swait.ge @!p0 [sflag:s8], $0x0  }
0x24: {  	s3 =	sadd.s32 $0x88, s3;
	s6 =	simm.s32 @!p1 $0x1082;
	[sflag:s4] =	ssyncset.s32 $0xFFFFF086  }
0x25: {  	[simem:s6], [sflag:s4] =	dma.local [hbm:s3], $0xF7A  }
0x26: {  	[smem:$0x3F9F] =	sst s1;
	(tag) =	ssettag s2;
	_ =	strace s9  }
0x27: {  	s1 =	sld [smem:$0x3FAF]  }
0x28: {  	s2 =	sld [smem:$0x3FB0]  }
0x29: {  	s4 =	sld [smem:$0x3FB2]  }
0x2a: {  	p0 =	seq.s32 s5, $0x0;
	s5 =	sld [smem:$0x3FB3]  }
0x2b: {  	s6 =	sld [smem:$0x3FB4]  }
0x2c: {  	s7 =	sld [smem:$0x3FB5]  }
0x2d: {  	s3 =	simm.s32 $0x108;
	s8 =	sld [smem:$0x3FB6]  }
0x2e: {  	s3 =	simm.s32 @!p0 $0x1082;
	s9 =	sld [smem:$0x3FB7]  }
0x2f: {  	lr =	sadd.s32 s0, s3;
	s0 =	sld [smem:$0x3FAE]  }
0x30: {  	s3 =	sld [smem:$0x3FB1]  }
0x31: {  	[smem:$0x3FBA] =	sst s10  }
0x32: {  	s10 =	sld [smem:$0x3FB8];
	_ =	sdelay $0x3  }
0x33: {  	p0 =	seq.s32 s10, $0x1;
	s10 =	sld [smem:$0x3FBA];
	_ =	sdelay $0x3  }
0x34: {  	[smem:$0x3FBA] =	sst s10  }
0x35: {  	s10 =	sld [smem:$0x3FB9];
	_ =	sdelay $0x3  }
0x36: {  	p1 =	seq.s32 s10, $0x1;
	s10 =	sld [smem:$0x3FBA];
	_ =	sdelay $0x3  }
0x37: {  	[smem:$0x3FBA] =	sst s10  }
0x38: {  	s10 =	sld [smem:$0x3FBB]  }
0x39: {  	_ = 	snop;
	(pc) =	sbr.ind lr, $3  }
0x3a: {  	_ = 	snop  }
0x3b: {  	_ = 	snop  }
0x3c: {  	p2 =	seq.s32 s10, $0x1;
	s10 =	sld [smem:$0x3FBA]  }
0x3d: {  	_ =	shalt  }
0x3e: {  	_ =	shalt  }
0x3f: {  	_ =	shalt  }
0x40: {  	_ =	shalt  }
0x41: {  	_ =	shalt  }
0x42: {  	_ =	shalt  }
0x43: {  	_ =	shalt  }
0x44: {  	_ =	shalt  }
0x45: {  	_ =	shalt  }
0x46: {  	_ =	shalt  }
0x47: {  	_ =	shalt  }
0x48: {  	_ =	shalt  }
0x49: {  	_ =	shalt  }
0x4a: {  	_ =	shalt  }
0x4b: {  	_ =	shalt  }
0x4c: {  	_ =	shalt  }
0x4d: {  	_ =	shalt  }
0x4e: {  	_ =	shalt  }
0x4f: {  	_ =	shalt  }
0x50: {  	_ =	shalt  }
0x51: {  	_ =	shalt  }
0x52: {  	_ =	shalt  }
0x53: {  	_ =	shalt  }
0x54: {  	_ =	shalt  }
0x55: {  	_ =	shalt  }
0x56: {  	_ =	shalt  }
0x57: {  	_ =	shalt  }
0x58: {  	_ =	shalt  }
0x59: {  	_ =	shalt  }
0x5a: {  	_ =	shalt  }
0x5b: {  	_ =	shalt  }
0x5c: {  	_ =	shalt  }
0x5d: {  	_ =	shalt  }
0x5e: {  	_ =	shalt  }
0x5f: {  	_ =	shalt  }
0x60: {  	_ =	shalt  }
0x61: {  	_ =	shalt  }
0x62: {  	_ =	shalt  }
0x63: {  	_ =	shalt  }
0x64: {  	_ =	shalt  }
0x65: {  	_ =	shalt  }
0x66: {  	_ =	shalt  }
0x67: {  	_ =	shalt  }
0x68: {  	_ =	shalt  }
0x69: {  	_ =	shalt  }
0x6a: {  	_ =	shalt  }
0x6b: {  	_ =	shalt  }
0x6c: {  	_ =	shalt  }
0x6d: {  	_ =	shalt  }
0x6e: {  	_ =	shalt  }
0x6f: {  	_ =	shalt  }
0x70: {  	_ =	shalt  }
0x71: {  	_ =	shalt  }
0x72: {  	_ =	shalt  }
0x73: {  	_ =	shalt  }
0x74: {  	_ =	shalt  }
0x75: {  	_ =	shalt  }
0x76: {  	_ =	shalt  }
0x77: {  	_ =	shalt  }
0x78: {  	_ =	shalt  }
0x79: {  	_ =	shalt  }
0x7a: {  	_ =	shalt  }
0x7b: {  	_ =	shalt  }
0x7c: {  	_ =	shalt  }
0x7d: {  	_ =	shalt  }
0x7e: {  	_ =	shalt  }
0x7f: {  	_ =	shalt  }
0x80: {  	_ =	shalt  }
0x81: {  	_ =	shalt  }
0x82: {  	_ =	shalt  }
0x83: {  	_ =	shalt  }
0x84: {  	_ =	shalt  }
0x85: {  	_ =	shalt  }
0x86: {  	_ =	shalt  }
0x87: {  	_ =	shalt  }
.Lfunc_end0:
.L_simem_size_0:
called_computation_lowered:
.L_overlay_start_0:
0x88: {  	s2 =	sld [smem:$0x3FD9]  }
0x89: {  	s3 =	sld [smem:$0x3FFE];
	_ =	sdelay $0x1  }
0x8a: {  	s1 =	srdreg.scid  }
0x8b: {  	s0 =	sand.u32 $0x1, s1  }
0x8c: {  	s17 =	sshll.u32 s0, $0xA;
	s2 =	sadd.s32 s3, s2  }
0x8d: {  	s2 =	sadd.s32 s2, s17  }
0x8e: {  	[smem:$0x3FC6] =	sst s2  }
0x8f: {  	_ = 	snop  }
0x90: {  	s2 =	sld [smem:$0x3FC9]  }
0x91: {  	s18 =	sld [smem:$0x3FC8]  }
0x92: {  	s4 =	sld [smem:$0x3FD0];
	(tm) =	ssettm $0x1  }
0x93: {  	s5 =	sld [smem:$0x3FFB];
	_ =	sdelay $0x3  }
0x94: {  	_ =	strace s5  }
0x95: {  	s5 =	sld [smem:$0x3FFC];
	_ =	sdelay $0x3  }
0x96: {  	_ =	strace s5  }
0x97: {  	s5 =	sld [smem:$0x3FFD];
	_ =	sdelay $0x3  }
0x98: {  	_ =	strace s5  }
0x99: {  	_ =	strace $0x8FFFFFFF  }
0x9a: {  	s19 =	sld [smem:$0x3FDB];
	_ =	sdelay $0x1  }
0x9b: {  	s6 =	simm.s32 $_scs_section_size  }
0x9c: {  	s7 =	simm.s32 $_size__tile_overlayer_lowered;
	s8 =	simm.s32 $_tile_overlayer_lowered  }
0x9d: {  	s22 =	simm.s32 $0x1BFF;
	s21 =	sshll.u32 s8, $0x1;
	s5 =	sadd.s32 s6, s19  }
0x9e: {  	s9 =	simm.s32 $0x0;
	s20 =	sshll.u32 s7, $0x1;
	s7 =	sadd.s32 s21, s5  }
0x9f: {  	[timem:s9], [sflag:s22] =	dma.local [hbm:s7], s20  }
0xa0: {  	_ =	swait.ge [sflag:s22], s20  }
0xa1: {  	s6 =	ssub.s32 $0x0, s20;
	[sflag:s22] =	ssyncset.done $0x0  }
0xa2: {  	[sflag:s22] =	ssyncadd.s32 s6;
	_ =	sdelay $0x1  }
0xa3: {  	s23 =	simm.s32 $0x1B8B  }
0xa4: {  	_ =	swait.ge [sflag:s23], $0x1  }
0xa5: {  	[sflag:s23] =	ssyncset.done $0x0  }
0xa6: {  	s25 =	simm.s32 $0x1B8E;
	s24 =	sld [smem:$0x3FFE];
	[sflag:s23] =	ssyncadd.s32 $0xFFFFFFFF  }
0xa7: {  	s26 =	simm.s32 $execute0_lowered;
	[smem:$0x3FD2] =	sst s25  }
0xa8: {  	s7 =	sshll.u32 s26, $0x1;
	_ =	strace $0x80000046;
	[dreg:$0x1] =	wrdreg $0xFFFFFFFF  }
0xa9: {  	s28 =	simm.s32 $_size_execute0_lowered;
	s5 =	sadd.s32 s5, s7;
	[dreg:$0x0] =	wrdreg $0x0  }
0xaa: {  	s7 =	sshll.u32 s28, $0x1;
	[dreg:$0x2] =	wrdreg s5  }
0xab: {  	[dreg:$0x3] =	wrdreg s7  }
0xac: {  	[dreg:$0x4] =	wrdreg $0xC0  }
0xad: {  	_ =	task [dreg:s9], $0x5FFFF  }
0xae: {  	[dreg:$0x1] =	wrdreg $0xFFFFFFFF  }
0xaf: {  	[dreg:$0x0] =	wrdreg $0x60  }
0xb0: {  	[dreg:$0x2] =	wrdreg s24  }
0xb1: {  	[dreg:$0x3] =	wrdreg s2  }
0xb2: {  	[dreg:$0x4] =	wrdreg s18  }
0xb3: {  	[dreg:$0x5] =	wrdreg s4  }
0xb4: {  	[dreg:$0x6] =	wrdreg $0x9  }
0xb5: {  	_ =	task.clear_ibuf [dreg:s9], $0x7FFFF;
	_ =	strace $0x90000046  }
0xb6: {  	s29 =	simm.s32 $0x9;
	_ =	strace $0x80000048  }
0xb7: {  	_ =	swait.ge [sflag:s29], $0x1  }
0xb8: {  	[sflag:s29] =	ssyncadd.s32 $0xFFFFFFFF  }
0xb9: {  	_ =	strace $0x90000048  }
0xba: {  	_ =	sfence  }
0xbb: {  	s30 =	sld [smem:$0x0];
	_ =	sdelay $0x2  }
0xbc: {  	s31 =	sshll.u32 s1, $0xD;
	s1 =	sshrl.u32 s1, $0x2  }
0xbd: {  	s3 =	sand.u32 $0x4000, s31;
	s1 =	sadd.s32 s1, s30  }
0xbe: {  	s0 =	sor.u32 s3, s0;
	s1 =	sshll.u32 s1, $0x11  }
0xbf: {  	s0 =	sor.u32 s1, s0  }
0xc0: {  	s0 =	sadd.s32 $0x8F2B, s0  }
0xc1: {  	[sflag:s0] =	ssyncadd.remote.s32 $0x1  }
0xc2: {  	_ =	sfence.sel $0xFFFF  }
0xc3: {  	[dreg:$0x0] =	wrdreg $0xFFFFFFFF;
	(pc) =	sbr.abs _section_cstart, $3  }
0xc4: {  	[dreg:$0x1] =	wrdreg $0xFFFFFFFF  }
0xc5: {  	_ =	task.clear_ibuf [dreg:s9], $0x2FFFF;
	_ =	strace $0x9FFFFFFF  }
0xc6: {  	(tm) =	ssettm $0x7FFFFFFF  }
0xc7: {  	_ =	shalt  }
tec
execute0_lowered:
.L_overlay_start_1:
0x0: {  	(tag) =	ssettag $0x1  }
0x1: {  	s5 =	rddreg [dreg:$0x0]  }
0x2: {  	s1 =	rddreg [dreg:$0x1]  }
0x3: {  	s10 =	rddreg [dreg:$0x2]  }
0x4: {  	s2 =	rddreg [dreg:$0x3]  }
0x5: {  	s0 =	rddreg [dreg:$0x4]  }
0x6: {  	s4 =	simm.s32 $0x0;
	s6 =	srdreg.scid;
	s3 =	stileid.u32  }
0x7: {  	s15 =	simm.s32 $0x7;
	s16 =	simm.s32 $0x6;
	s17 =	simm.s32 $0x5  }
0x8: {  	s18 =	simm.s32 $0x0;
	[smem:$0x7FF] =	sst s4;
	s6 =	sand.u32 $0x1, s6  }
0x9: {  	s8 =	sshrl.u32 s3, $0x2;
	s9 =	sshll.u32 s3, $0x8;
	s5 =	sadd.s32 $0x400, s5  }
0xa: {  	_ =	strace $0x80000047;
	s7 =	ssub.s32 $0x2, s6;
	s6 =	sshll.u32 s6, $0x7  }
0xb: {  	s9 =	sand.u32 $0x300, s9;
	s11 =	smul.u32 $0xC3800, s8;
	s26 =	sor.u32 $0x4, s8  }
0xc: {  	s28 =	sshll.u32 s8, $0xF;
	s12 =	sshrl.u32 s7, $0x1;
	s9 =	sor.u32 s6, s9  }
0xd: {  	s29 =	smul.u32 $0xC3800, s26;
	s12 =	ssub.s32 s7, s12;
	s6 =	sor.u32 s11, s9  }
0xe: {  	s7 =	sor.u32 s28, s9;
	s11 =	sshll.u32 s26, $0xF;
	s6 =	sshrl.u32 s6, $0x3  }
0xf: {  	s13 =	sshrl.u32 s7, $0x3;
	s14 =	sor.u32 s9, s29;
	s8 =	sor.u32 s9, s11  }
0x10: {  	s12 =	smax.u32 s12, $0x1;
	s6 =	sadd.s32 s10, s6;
	s9 =	sadd.s32 s1, s13  }
0x11: {  	s30 =	sshrl.u32 s14, $0x3;
	s31 =	sshrl.u32 s8, $0x3;
	s13 =	simm.s32 $0x80  }
0x12: {  	s14 =	simm.s32 $0x400;
	s10 =	sadd.s32 s10, s30;
	s11 =	sadd.s32 s1, s31  }
.LBB2_1:
0x13: {  	[tilespmem:s4], [sflag:$0x7] =	stream.strided.gather [hbm4b:s6+s13], $0x18700, s14, s13, $0x38;
	[tilespmem:$0x1C700] =	vst v63  }
0x14: {  	_ =	swait.ge [sflag:s15], $0x18700  }
0x15: {  	s19 =	simm.s32 $0x18700;
	s20 =	simm.s32 $0x10;
	[sflag:s15] =	ssyncset.done $0x0  }
0x16: {  	s22 =	sadd.s32 $0x0, s5;
	s21 =	simm.s32 $0x18800;
	[sflag:s15] =	ssyncadd.s32 $0xFFFE7900  }
.LBB2_2:
0x17: {  	[tilespmem:s19], [sflag:$0x1] =	stream.linear.gather [hbm4b:s22+s4], $0x80, $0x38;
	[tilespmem:$0x1C700] =	vst v63  }
0x18: {  	s22 =	smov.u32 s20;
	s19 =	smov.u32 s21;
	p0 =	sne.s32 s20, $0x1F0  }
.Ltmp0:
0x19: {  	s20 =	sadd.s32 $0x10, s20;
	(pc) =	sbr.rel @p0 .LBB2_2-.Ltmp0, $2  }
0x1a: {  	_ =	sdelay $0x2  }
0x1b: {  	s21 =	sadd.s32 $0x100, s21;
	s22 =	sadd.s32 s22, s5  }
0x1c: {  	[tilespmem:s19], [sflag:$0x1] =	stream.linear.gather [hbm4b:s22+s4], $0x80, $0x38;
	[tilespmem:$0x1C700] =	vst v63  }
0x1d: {  	s20 =	simm.s32 $0x0;
	s19 =	simm.s32 $0x1A700;
	s21 =	simm.s32 $0x0  }
.LBB2_4:
0x1e: {  	p0 =	seq.s32 s21, $0xF80  }
.Ltmp1:
0x1f: {  	_ = 	snop;
	(pc) =	sbr.rel @!p0 .LBB2_4-.Ltmp1, $4  }
0x20: {  	_ = 	snop  }
0x21: {  	s22 =	sadd.s32 s21, s9  }
0x22: {  	[tilespmem:s19], [sflag:$0x3] =	stream.linear.gather [hbm4b:s22+s20], $0x80, $0x38;
	[tilespmem:$0x1C700] =	vst v63  }
0x23: {  	s21 =	sadd.s32 $0x80, s21;
	s19 =	sadd.s32 $0x100, s19  }
0x24: {  	p0 =	por $0x1, $0x1;
	p1 =	por $0x0, $0x0  }
.LBB2_7:
0x25: {  	p2 =	seq.s32 s20, $0x0  }
.Ltmp2:
0x26: {  	_ = 	snop;
	(pc) =	sbr.rel @p2 .LBB2_10-.Ltmp2, $3  }
0x27: {  	_ =	sdelay $0x1  }
0x28: {  	s19 =	sadd.s32 $0x1, s20  }
0x29: {  	s22 =	sand.u32 $0x1, s19  }
0x2a: {  	p2 =	seq.s32 s20, $0x31  }
.Ltmp3:
0x2b: {  	_ = 	snop;
	(pc) =	sbr.rel @p2 .LBB2_15-.Ltmp3, $1  }
0x2c: {  	_ =	sdelay $0x3  }
0x2d: {  	s21 =	sadd.s32 $0x5, s22  }
0x2e: {  	_ =	swait.ge [sflag:s21], $0x1000  }
0x2f: {  	[sflag:s21] =	ssyncset.done $0x0  }
0x30: {  	[sflag:s21] =	ssyncadd.s32 $0xFFFFF000  }
.LBB2_10:
0x31: {  	s21 =	simm.s32 $0x1  }
0x32: {  	s25 =	sshll.u32 s19, $0x9;
	s21 =	simm.s32 @!p0 $0x0  }
0x33: {  	s25 =	sadd.s32 s5, s25;
	s23 =	sshll.u32 s21, $0x7  }
0x34: {  	s26 =	simm.s32 $0x10;
	s29 =	sadd.s32 $0x0, s25;
	s24 =	sor.u32 $0x18700, s23  }
0x35: {  	s21 =	sor.u32 $0x1A700, s23;
	s23 =	sadd.s32 $0x1, s22;
	s28 =	sadd.s32 $0x100, s24  }
.LBB2_11:
0x36: {  	[tilespmem:s24], [sflag:s23] =	stream.linear.gather [hbm4b:s29+s4], $0x80, $0x38;
	[tilespmem:$0x1C700] =	vst v63  }
0x37: {  	s29 =	smov.u32 s26;
	s24 =	smov.u32 s28;
	p2 =	sne.s32 s26, $0x1F0  }
.Ltmp4:
0x38: {  	s26 =	sadd.s32 $0x10, s26;
	(pc) =	sbr.rel @p2 .LBB2_11-.Ltmp4, $2  }
0x39: {  	_ =	sdelay $0x2  }
0x3a: {  	s28 =	sadd.s32 $0x100, s28;
	s29 =	sadd.s32 s29, s25  }
0x3b: {  	[tilespmem:s24], [sflag:s23] =	stream.linear.gather [hbm4b:s29+s4], $0x80, $0x38;
	[tilespmem:$0x1C700] =	vst v63  }
0x3c: {  	s31 =	sshll.u32 s19, $0x12  }
0x3d: {  	s23 =	sor.u32 s7, s31  }
0x3e: {  	s23 =	sshrl.u32 s23, $0x3  }
0x3f: {  	s22 =	sadd.s32 $0x3, s22;
	s23 =	sadd.s32 s1, s23  }
0x40: {  	s24 =	simm.s32 $0x80;
	s25 =	sadd.s32 $0x100, s21;
	s26 =	sadd.s32 $0x0, s23  }
.LBB2_13:
0x41: {  	[tilespmem:s21], [sflag:s22] =	stream.linear.gather [hbm4b:s26+s4], $0x80, $0x38;
	[tilespmem:$0x1C700] =	vst v63  }
0x42: {  	s26 =	smov.u32 s24;
	s21 =	smov.u32 s25;
	p2 =	sne.s32 s24, $0xF80  }
.Ltmp5:
0x43: {  	s24 =	sadd.s32 $0x80, s24;
	(pc) =	sbr.rel @p2 .LBB2_13-.Ltmp5, $2  }
0x44: {  	_ =	sdelay $0x2  }
0x45: {  	s25 =	sadd.s32 $0x100, s25;
	s26 =	sadd.s32 s26, s23  }
0x46: {  	[tilespmem:s21], [sflag:s22] =	stream.linear.gather [hbm4b:s26+s4], $0x80, $0x38;
	[tilespmem:$0x1C700] =	vst v63  }
.LBB2_15:
0x47: {  	s21 =	sand.u32 $0x1, s20  }
0x48: {  	s22 =	sadd.s32 $0x1, s21  }
0x49: {  	_ =	swait.ge [sflag:s22], $0x1000  }
0x4a: {  	[sflag:s22] =	ssyncset.done $0x0  }
0x4b: {  	s23 =	simm.s32 $0x1;
	s31 =	sadd.s32 $0x3, s21;
	[sflag:s22] =	ssyncadd.s32 $0xFFFFF000  }
0x4c: {  	s23 =	simm.s32 @!p1 $0x0;
	_ =	swait.ge [sflag:s31], $0x1000  }
0x4d: {  	s24 =	sshll.u32 s23, $0x7;
	[sflag:s31] =	ssyncset.done $0x0  }
0x4e: {  	s26 =	sor.u32 $0x18740, s24;
	[sflag:s31] =	ssyncadd.s32 $0xFFFFF000  }
0x4f: {  	v0 =	vld [tilespmem:s26+$0x30]  }
0x50: {  	v1 =	vld [tilespmem:s26+$0xFFFFFFD0]  }
0x51: {  	v2 =	vld [tilespmem:s26+$0xFFFFFFE0]  }
0x52: {  	v3 =	vld [tilespmem:s26+$0xFFFFFFF0]  }
0x53: {  	v4 =	vld [tilespmem:s26+$0x0]  }
0x54: {  	v5 =	vld [tilespmem:s26+$0x10]  }
0x55: {  	s23 =	sor.u32 $0x1A740, s24;
	v11 =	vld [tilespmem:s26+$0x20]  }
0x56: {  	v6 =	vld [tilespmem:s23+$0x30]  }
0x57: {  	v7 =	vld [tilespmem:s26+$0xFFFFFFC0]  }
0x58: {  	v8 =	vld [tilespmem:s23+$0xFFFFFFC0]  }
0x59: {  	v9 =	vld [tilespmem:s23+$0xFFFFFFD0]  }
0x5a: {  	v12 =	vld [tilespmem:s23+$0xFFFFFFE0]  }
0x5b: {  	v13 =	vld [tilespmem:s23+$0xFFFFFFF0]  }
0x5c: {  	v14 =	vld [tilespmem:s23+$0x0]  }
0x5d: {  	v15 =	vld [tilespmem:s23+$0x10]  }
0x5e: {  	v16 =	vld [tilespmem:s23+$0x20]  }
0x5f: {  	v0 =	vld.idx.msk [tilespmem:v0+s4+$0x0], $0xffff  }
0x60: {  	v17 =	vld.idx.msk [tilespmem:v7+s4+$0x0], $0xffff  }
0x61: {  	v10 =	vld.idx.msk [tilespmem:v1+s4+$0x0], $0xffff  }
0x62: {  	v1 =	vmul.f32 $1.000000010e-01, v6;
	v6 =	vld.idx.msk [tilespmem:v2+s4+$0x0], $0xffff  }
0x63: {  	v18 =	vmul.f32 $1.000000010e-01, v8;
	v3 =	vld.idx.msk [tilespmem:v3+s4+$0x0], $0xffff  }
0x64: {  	v9 =	vmul.f32 $1.000000010e-01, v9;
	v7 =	vmul.f32 $1.000000010e-01, v12;
	v8 =	vld.idx.msk [tilespmem:v4+s4+$0x0], $0xffff;
	v0 =	vadd.f32 v1, v0  }
0x65: {  	s25 =	simm.s32 $0x0;
	v4 =	vmul.f32 $1.000000010e-01, v13;
	v5 =	vld.idx.msk [tilespmem:v5+s4+$0x0], $0xffff;
	v2 =	vmul.f32 $1.000000010e-01, v15  }
0x66: {  	s22 =	sor.u32 $0x1A700, s24;
	s24 =	smov.u32 s23;
	s26 =	sadd.s32 $0x100, s26;
	v11 =	vld.idx.msk [tilespmem:v11+s4+$0x0], $0xffff;
	v1 =	vmul.f32 $1.000000010e-01, v14;
	v12 =	vadd.f32 v18, v17;
	[tilespmem:s23+$0x30] =	vst v0;
	v0 =	vmul.f32 $1.000000010e-01, v16  }
.LBB2_16:
0x67: {  	v13 =	vld [tilespmem:s26+$0x30];
	s25 =	sadd.s32 $0x80, s25;
	v9 =	vadd.f32 v9, v10  }
0x68: {  	v6 =	vadd.f32 v7, v6;
	v10 =	vld [tilespmem:s26+$0xFFFFFFD0];
	p2 =	slt.u32 s25, $0xF80;
	[tilespmem:s23+$0xFFFFFFC0] =	vst v12  }
0x69: {  	v3 =	vadd.f32 v4, v3;
	v12 =	vld [tilespmem:s26+$0xFFFFFFE0];
	[tilespmem:s23+$0xFFFFFFD0] =	vst v9  }
0x6a: {  	v1 =	vadd.f32 v1, v8;
	v14 =	vld [tilespmem:s26+$0xFFFFFFF0];
	[tilespmem:s23+$0xFFFFFFE0] =	vst v6  }
0x6b: {  	v2 =	vadd.f32 v2, v5;
	v8 =	vld [tilespmem:s26+$0x0];
	[tilespmem:s23+$0xFFFFFFF0] =	vst v3  }
0x6c: {  	v0 =	vadd.f32 v0, v11;
	v5 =	vld [tilespmem:s26+$0x10];
	[tilespmem:s23+$0x0] =	vst v1  }
0x6d: {  	s23 =	sadd.s32 $0x100, s23;
	v11 =	vld [tilespmem:s26+$0x20];
	[tilespmem:s24+$0x10] =	vst v2  }
0x6e: {  	v1 =	vld [tilespmem:s23+$0x30];
	[tilespmem:s24+$0x20] =	vst v0;
	s24 =	smov.u32 s23  }
0x6f: {  	v0 =	vld.idx.msk [tilespmem:v13+s4+$0x0], $0xffff  }
0x70: {  	v2 =	vld [tilespmem:s26+$0xFFFFFFC0]  }
0x71: {  	v3 =	vld [tilespmem:s23+$0xFFFFFFC0]  }
0x72: {  	v4 =	vld [tilespmem:s23+$0xFFFFFFD0]  }
0x73: {  	v6 =	vld [tilespmem:s23+$0xFFFFFFE0];
	v1 =	vmul.f32 $1.000000010e-01, v1  }
0x74: {  	v13 =	vld [tilespmem:s23+$0xFFFFFFF0]  }
0x75: {  	v15 =	vld [tilespmem:s23+$0x0];
	v0 =	vadd.f32 v1, v0  }
0x76: {  	v16 =	vmul.f32 $1.000000010e-01, v3;
	v17 =	vld [tilespmem:s23+$0x10]  }
0x77: {  	v9 =	vmul.f32 $1.000000010e-01, v4;
	v18 =	vld [tilespmem:s23+$0x20];
	[tilespmem:s23+$0x30] =	vst v0  }
0x78: {  	v19 =	vld.idx.msk [tilespmem:v2+s4+$0x0], $0xffff;
	v7 =	vmul.f32 $1.000000010e-01, v6  }
0x79: {  	v10 =	vld.idx.msk [tilespmem:v10+s4+$0x0], $0xffff;
	v4 =	vmul.f32 $1.000000010e-01, v13  }
.Ltmp6:
0x7a: {  	v6 =	vld.idx.msk [tilespmem:v12+s4+$0x0], $0xffff;
	v1 =	vmul.f32 $1.000000010e-01, v15;
	(pc) =	sbr.rel @p2 .LBB2_16-.Ltmp6, $4  }
0x7b: {  	v3 =	vld.idx.msk [tilespmem:v14+s4+$0x0], $0xffff;
	v2 =	vmul.f32 $1.000000010e-01, v17  }
0x7c: {  	v8 =	vld.idx.msk [tilespmem:v8+s4+$0x0], $0xffff;
	v0 =	vmul.f32 $1.000000010e-01, v18  }
0x7d: {  	v5 =	vld.idx.msk [tilespmem:v5+s4+$0x0], $0xffff  }
0x7e: {  	s26 =	sadd.s32 $0x100, s26;
	v12 =	vadd.f32 v16, v19;
	v11 =	vld.idx.msk [tilespmem:v11+s4+$0x0], $0xffff  }
0x7f: {  	v9 =	vadd.f32 v9, v10  }
0x80: {  	v6 =	vadd.f32 v7, v6;
	[tilespmem:s23+$0xFFFFFFC0] =	vst v12  }
0x81: {  	v3 =	vadd.f32 v4, v3;
	[tilespmem:s23+$0xFFFFFFD0] =	vst v9  }
0x82: {  	s20 =	sshll.u32 s20, $0x12;
	[tilespmem:s23+$0xFFFFFFE0] =	vst v6;
	v1 =	vadd.f32 v1, v8  }
0x83: {  	s20 =	sor.u32 s7, s20;
	[tilespmem:s23+$0xFFFFFFF0] =	vst v3;
	v2 =	vadd.f32 v2, v5  }
0x84: {  	s31 =	sshrl.u32 s20, $0x3;
	[tilespmem:s23+$0x0] =	vst v1;
	v0 =	vadd.f32 v0, v11  }
0x85: {  	s20 =	sadd.s32 $0x5, s21;
	s21 =	sadd.s32 s2, s31;
	[tilespmem:s24+$0x10] =	vst v2  }
0x86: {  	s23 =	simm.s32 $0x80;
	s25 =	sadd.s32 $0x0, s21;
	[tilespmem:s24+$0x20] =	vst v0;
	s24 =	sadd.s32 $0x100, s22  }
.LBB2_18:
0x87: {  	[hbm4b:s25+s4] =	stream.linear.scatter [tilespmem:s22], [sflag:s20], $0x80, $0x38;
	[tilespmem:$0x1C700] =	vst v63  }
0x88: {  	s25 =	smov.u32 s23;
	s22 =	smov.u32 s24;
	p2 =	seq.s32 s23, $0xF80  }
.Ltmp7:
0x89: {  	s23 =	sadd.s32 $0x80, s23;
	(pc) =	sbr.rel @!p2 .LBB2_18-.Ltmp7, $2  }
0x8a: {  	_ =	sdelay $0x2  }
0x8b: {  	s24 =	sadd.s32 $0x100, s24;
	s25 =	sadd.s32 s25, s21  }
0x8c: {  	[hbm4b:s25+s4] =	stream.linear.scatter [tilespmem:s22], [sflag:s20], $0x80, $0x38;
	[tilespmem:$0x1C700] =	vst v63  }
0x8d: {  	p2 =	seq.s32 s19, $0x32  }
.Ltmp8:
0x8e: {  	_ = 	snop;
	(pc) =	sbr.rel @!p2 .LBB2_7-.Ltmp8, $2  }
0x8f: {  	_ =	sdelay $0x2  }
0x90: {  	p0 =	por !p0, !p0;
	p1 =	por !p1, !p1;
	s20 =	smov.u32 s19  }
0x91: {  	_ =	swait.ge [sflag:s16], $0x1000  }
0x92: {  	[sflag:s16] =	ssyncset.done $0x0  }
0x93: {  	[sflag:s16] =	ssyncadd.s32 $0xFFFFF000  }
0x94: {  	_ =	swait.ge [sflag:s17], $0x1000  }
0x95: {  	[sflag:s17] =	ssyncset.done $0x0  }
0x96: {  	s19 =	simm.s32 $0x0;
	[sflag:s17] =	ssyncadd.s32 $0xFFFFF000  }
0x97: {  	[tilespmem:s19], [sflag:$0x7] =	stream.strided.gather [hbm4b:s10+s13], $0x18700, s14, s13, $0x38;
	[tilespmem:$0x1C700] =	vst v63  }
0x98: {  	_ =	swait.ge [sflag:s15], $0x18700  }
0x99: {  	s20 =	simm.s32 $0x10;
	s22 =	sadd.s32 $0x0, s5;
	[sflag:s15] =	ssyncset.done $0x0  }
0x9a: {  	s21 =	simm.s32 $0x18800;
	s19 =	simm.s32 $0x18700;
	[sflag:s15] =	ssyncadd.s32 $0xFFFE7900  }
.LBB2_21:
0x9b: {  	[tilespmem:s19], [sflag:$0x1] =	stream.linear.gather [hbm4b:s22+s4], $0x80, $0x38;
	[tilespmem:$0x1C700] =	vst v63  }
0x9c: {  	s22 =	smov.u32 s20;
	s19 =	smov.u32 s21;
	p0 =	sne.s32 s20, $0x1F0  }
.Ltmp9:
0x9d: {  	s20 =	sadd.s32 $0x10, s20;
	(pc) =	sbr.rel @p0 .LBB2_21-.Ltmp9, $2  }
0x9e: {  	_ =	sdelay $0x2  }
0x9f: {  	s21 =	sadd.s32 $0x100, s21;
	s22 =	sadd.s32 s22, s5  }
0xa0: {  	[tilespmem:s19], [sflag:$0x1] =	stream.linear.gather [hbm4b:s22+s4], $0x80, $0x38;
	[tilespmem:$0x1C700] =	vst v63  }
0xa1: {  	s20 =	simm.s32 $0x0;
	s19 =	simm.s32 $0x1A700;
	s21 =	simm.s32 $0x0  }
.LBB2_23:
0xa2: {  	p0 =	seq.s32 s21, $0xF80  }
.Ltmp10:
0xa3: {  	_ = 	snop;
	(pc) =	sbr.rel @!p0 .LBB2_23-.Ltmp10, $4  }
0xa4: {  	_ = 	snop  }
0xa5: {  	s22 =	sadd.s32 s21, s11  }
0xa6: {  	[tilespmem:s19], [sflag:$0x3] =	stream.linear.gather [hbm4b:s22+s20], $0x80, $0x38;
	[tilespmem:$0x1C700] =	vst v63  }
0xa7: {  	s21 =	sadd.s32 $0x80, s21;
	s19 =	sadd.s32 $0x100, s19  }
0xa8: {  	p0 =	por $0x1, $0x1;
	p1 =	por $0x0, $0x0  }
.LBB2_26:
0xa9: {  	p2 =	seq.s32 s20, $0x0  }
.Ltmp11:
0xaa: {  	_ = 	snop;
	(pc) =	sbr.rel @p2 .LBB2_29-.Ltmp11, $3  }
0xab: {  	_ =	sdelay $0x1  }
0xac: {  	s19 =	sadd.s32 $0x1, s20  }
0xad: {  	s22 =	sand.u32 $0x1, s19  }
0xae: {  	p2 =	seq.s32 s20, $0x31  }
.Ltmp12:
0xaf: {  	_ = 	snop;
	(pc) =	sbr.rel @p2 .LBB2_34-.Ltmp12, $1  }
0xb0: {  	_ =	sdelay $0x3  }
0xb1: {  	s21 =	sadd.s32 $0x5, s22  }
0xb2: {  	_ =	swait.ge [sflag:s21], $0x1000  }
0xb3: {  	[sflag:s21] =	ssyncset.done $0x0  }
0xb4: {  	[sflag:s21] =	ssyncadd.s32 $0xFFFFF000  }
.LBB2_29:
0xb5: {  	s21 =	simm.s32 $0x1  }
0xb6: {  	s25 =	sshll.u32 s19, $0x9;
	s21 =	simm.s32 @!p0 $0x0  }
0xb7: {  	s25 =	sadd.s32 s5, s25;
	s23 =	sshll.u32 s21, $0x7  }
0xb8: {  	s26 =	simm.s32 $0x10;
	s29 =	sadd.s32 $0x0, s25;
	s24 =	sor.u32 $0x18700, s23  }
0xb9: {  	s21 =	sor.u32 $0x1A700, s23;
	s23 =	sadd.s32 $0x1, s22;
	s28 =	sadd.s32 $0x100, s24  }
.LBB2_30:
0xba: {  	[tilespmem:s24], [sflag:s23] =	stream.linear.gather [hbm4b:s29+s4], $0x80, $0x38;
	[tilespmem:$0x1C700] =	vst v63  }
0xbb: {  	s29 =	smov.u32 s26;
	s24 =	smov.u32 s28;
	p2 =	sne.s32 s26, $0x1F0  }
.Ltmp13:
0xbc: {  	s26 =	sadd.s32 $0x10, s26;
	(pc) =	sbr.rel @p2 .LBB2_30-.Ltmp13, $2  }
0xbd: {  	_ =	sdelay $0x2  }
0xbe: {  	s28 =	sadd.s32 $0x100, s28;
	s29 =	sadd.s32 s29, s25  }
0xbf: {  	[tilespmem:s24], [sflag:s23] =	stream.linear.gather [hbm4b:s29+s4], $0x80, $0x38;
	[tilespmem:$0x1C700] =	vst v63  }
0xc0: {  	s31 =	sshll.u32 s19, $0x12  }
0xc1: {  	s23 =	sor.u32 s8, s31  }
0xc2: {  	s23 =	sshrl.u32 s23, $0x3  }
0xc3: {  	s22 =	sadd.s32 $0x3, s22;
	s23 =	sadd.s32 s1, s23  }
0xc4: {  	s24 =	simm.s32 $0x80;
	s25 =	sadd.s32 $0x100, s21;
	s26 =	sadd.s32 $0x0, s23  }
.LBB2_32:
0xc5: {  	[tilespmem:s21], [sflag:s22] =	stream.linear.gather [hbm4b:s26+s4], $0x80, $0x38;
	[tilespmem:$0x1C700] =	vst v63  }
0xc6: {  	s26 =	smov.u32 s24;
	s21 =	smov.u32 s25;
	p2 =	sne.s32 s24, $0xF80  }
.Ltmp14:
0xc7: {  	s24 =	sadd.s32 $0x80, s24;
	(pc) =	sbr.rel @p2 .LBB2_32-.Ltmp14, $2  }
0xc8: {  	_ =	sdelay $0x2  }
0xc9: {  	s25 =	sadd.s32 $0x100, s25;
	s26 =	sadd.s32 s26, s23  }
0xca: {  	[tilespmem:s21], [sflag:s22] =	stream.linear.gather [hbm4b:s26+s4], $0x80, $0x38;
	[tilespmem:$0x1C700] =	vst v63  }
.LBB2_34:
0xcb: {  	s21 =	sand.u32 $0x1, s20  }
0xcc: {  	s22 =	sadd.s32 $0x1, s21  }
0xcd: {  	_ =	swait.ge [sflag:s22], $0x1000  }
0xce: {  	[sflag:s22] =	ssyncset.done $0x0  }
0xcf: {  	s23 =	simm.s32 $0x1;
	s31 =	sadd.s32 $0x3, s21;
	[sflag:s22] =	ssyncadd.s32 $0xFFFFF000  }
0xd0: {  	s23 =	simm.s32 @!p1 $0x0;
	_ =	swait.ge [sflag:s31], $0x1000  }
0xd1: {  	s24 =	sshll.u32 s23, $0x7;
	[sflag:s31] =	ssyncset.done $0x0  }
0xd2: {  	s26 =	sor.u32 $0x18740, s24;
	[sflag:s31] =	ssyncadd.s32 $0xFFFFF000  }
0xd3: {  	v0 =	vld [tilespmem:s26+$0x30]  }
0xd4: {  	v1 =	vld [tilespmem:s26+$0xFFFFFFD0]  }
0xd5: {  	v2 =	vld [tilespmem:s26+$0xFFFFFFE0]  }
0xd6: {  	v3 =	vld [tilespmem:s26+$0xFFFFFFF0]  }
0xd7: {  	v4 =	vld [tilespmem:s26+$0x0]  }
0xd8: {  	v5 =	vld [tilespmem:s26+$0x10]  }
0xd9: {  	s23 =	sor.u32 $0x1A740, s24;
	v11 =	vld [tilespmem:s26+$0x20]  }
0xda: {  	v6 =	vld [tilespmem:s23+$0x30]  }
0xdb: {  	v7 =	vld [tilespmem:s26+$0xFFFFFFC0]  }
0xdc: {  	v8 =	vld [tilespmem:s23+$0xFFFFFFC0]  }
0xdd: {  	v9 =	vld [tilespmem:s23+$0xFFFFFFD0]  }
0xde: {  	v12 =	vld [tilespmem:s23+$0xFFFFFFE0]  }
0xdf: {  	v13 =	vld [tilespmem:s23+$0xFFFFFFF0]  }
0xe0: {  	v14 =	vld [tilespmem:s23+$0x0]  }
0xe1: {  	v15 =	vld [tilespmem:s23+$0x10]  }
0xe2: {  	v16 =	vld [tilespmem:s23+$0x20]  }
0xe3: {  	v0 =	vld.idx.msk [tilespmem:v0+s4+$0x0], $0xffff  }
0xe4: {  	v17 =	vld.idx.msk [tilespmem:v7+s4+$0x0], $0xffff  }
0xe5: {  	v10 =	vld.idx.msk [tilespmem:v1+s4+$0x0], $0xffff  }
0xe6: {  	v1 =	vmul.f32 $1.000000010e-01, v6;
	v6 =	vld.idx.msk [tilespmem:v2+s4+$0x0], $0xffff  }
0xe7: {  	v18 =	vmul.f32 $1.000000010e-01, v8;
	v3 =	vld.idx.msk [tilespmem:v3+s4+$0x0], $0xffff  }
0xe8: {  	v9 =	vmul.f32 $1.000000010e-01, v9;
	v7 =	vmul.f32 $1.000000010e-01, v12;
	v8 =	vld.idx.msk [tilespmem:v4+s4+$0x0], $0xffff;
	v0 =	vadd.f32 v1, v0  }
0xe9: {  	s25 =	simm.s32 $0x0;
	v4 =	vmul.f32 $1.000000010e-01, v13;
	v5 =	vld.idx.msk [tilespmem:v5+s4+$0x0], $0xffff;
	v2 =	vmul.f32 $1.000000010e-01, v15  }
0xea: {  	s22 =	sor.u32 $0x1A700, s24;
	s24 =	smov.u32 s23;
	s26 =	sadd.s32 $0x100, s26;
	v11 =	vld.idx.msk [tilespmem:v11+s4+$0x0], $0xffff;
	v1 =	vmul.f32 $1.000000010e-01, v14;
	v12 =	vadd.f32 v18, v17;
	[tilespmem:s23+$0x30] =	vst v0;
	v0 =	vmul.f32 $1.000000010e-01, v16  }
.LBB2_35:
0xeb: {  	v13 =	vld [tilespmem:s26+$0x30];
	s25 =	sadd.s32 $0x80, s25;
	v9 =	vadd.f32 v9, v10  }
0xec: {  	v6 =	vadd.f32 v7, v6;
	v10 =	vld [tilespmem:s26+$0xFFFFFFD0];
	p2 =	slt.u32 s25, $0xF80;
	[tilespmem:s23+$0xFFFFFFC0] =	vst v12  }
0xed: {  	v3 =	vadd.f32 v4, v3;
	v12 =	vld [tilespmem:s26+$0xFFFFFFE0];
	[tilespmem:s23+$0xFFFFFFD0] =	vst v9  }
0xee: {  	v1 =	vadd.f32 v1, v8;
	v14 =	vld [tilespmem:s26+$0xFFFFFFF0];
	[tilespmem:s23+$0xFFFFFFE0] =	vst v6  }
0xef: {  	v2 =	vadd.f32 v2, v5;
	v8 =	vld [tilespmem:s26+$0x0];
	[tilespmem:s23+$0xFFFFFFF0] =	vst v3  }
0xf0: {  	v0 =	vadd.f32 v0, v11;
	v5 =	vld [tilespmem:s26+$0x10];
	[tilespmem:s23+$0x0] =	vst v1  }
0xf1: {  	s23 =	sadd.s32 $0x100, s23;
	v11 =	vld [tilespmem:s26+$0x20];
	[tilespmem:s24+$0x10] =	vst v2  }
0xf2: {  	v1 =	vld [tilespmem:s23+$0x30];
	[tilespmem:s24+$0x20] =	vst v0;
	s24 =	smov.u32 s23  }
0xf3: {  	v0 =	vld.idx.msk [tilespmem:v13+s4+$0x0], $0xffff  }
0xf4: {  	v2 =	vld [tilespmem:s26+$0xFFFFFFC0]  }
0xf5: {  	v3 =	vld [tilespmem:s23+$0xFFFFFFC0]  }
0xf6: {  	v4 =	vld [tilespmem:s23+$0xFFFFFFD0]  }
0xf7: {  	v6 =	vld [tilespmem:s23+$0xFFFFFFE0];
	v1 =	vmul.f32 $1.000000010e-01, v1  }
0xf8: {  	v13 =	vld [tilespmem:s23+$0xFFFFFFF0]  }
0xf9: {  	v15 =	vld [tilespmem:s23+$0x0];
	v0 =	vadd.f32 v1, v0  }
0xfa: {  	v16 =	vmul.f32 $1.000000010e-01, v3;
	v17 =	vld [tilespmem:s23+$0x10]  }
0xfb: {  	v9 =	vmul.f32 $1.000000010e-01, v4;
	v18 =	vld [tilespmem:s23+$0x20];
	[tilespmem:s23+$0x30] =	vst v0  }
0xfc: {  	v19 =	vld.idx.msk [tilespmem:v2+s4+$0x0], $0xffff;
	v7 =	vmul.f32 $1.000000010e-01, v6  }
0xfd: {  	v10 =	vld.idx.msk [tilespmem:v10+s4+$0x0], $0xffff;
	v4 =	vmul.f32 $1.000000010e-01, v13  }
.Ltmp15:
0xfe: {  	v6 =	vld.idx.msk [tilespmem:v12+s4+$0x0], $0xffff;
	v1 =	vmul.f32 $1.000000010e-01, v15;
	(pc) =	sbr.rel @p2 .LBB2_35-.Ltmp15, $4  }
0xff: {  	v3 =	vld.idx.msk [tilespmem:v14+s4+$0x0], $0xffff;
	v2 =	vmul.f32 $1.000000010e-01, v17  }
0x100: {  	v8 =	vld.idx.msk [tilespmem:v8+s4+$0x0], $0xffff;
	v0 =	vmul.f32 $1.000000010e-01, v18  }
0x101: {  	v5 =	vld.idx.msk [tilespmem:v5+s4+$0x0], $0xffff  }
0x102: {  	s26 =	sadd.s32 $0x100, s26;
	v12 =	vadd.f32 v16, v19;
	v11 =	vld.idx.msk [tilespmem:v11+s4+$0x0], $0xffff  }
0x103: {  	v9 =	vadd.f32 v9, v10  }
0x104: {  	v6 =	vadd.f32 v7, v6;
	[tilespmem:s23+$0xFFFFFFC0] =	vst v12  }
0x105: {  	v3 =	vadd.f32 v4, v3;
	[tilespmem:s23+$0xFFFFFFD0] =	vst v9  }
0x106: {  	s20 =	sshll.u32 s20, $0x12;
	[tilespmem:s23+$0xFFFFFFE0] =	vst v6;
	v1 =	vadd.f32 v1, v8  }
0x107: {  	s20 =	sor.u32 s8, s20;
	[tilespmem:s23+$0xFFFFFFF0] =	vst v3;
	v2 =	vadd.f32 v2, v5  }
0x108: {  	s31 =	sshrl.u32 s20, $0x3;
	[tilespmem:s23+$0x0] =	vst v1;
	v0 =	vadd.f32 v0, v11  }
0x109: {  	s20 =	sadd.s32 $0x5, s21;
	s21 =	sadd.s32 s2, s31;
	[tilespmem:s24+$0x10] =	vst v2  }
0x10a: {  	s23 =	simm.s32 $0x80;
	s25 =	sadd.s32 $0x0, s21;
	[tilespmem:s24+$0x20] =	vst v0;
	s24 =	sadd.s32 $0x100, s22  }
.LBB2_37:
0x10b: {  	[hbm4b:s25+s4] =	stream.linear.scatter [tilespmem:s22], [sflag:s20], $0x80, $0x38;
	[tilespmem:$0x1C700] =	vst v63  }
0x10c: {  	s25 =	smov.u32 s23;
	s22 =	smov.u32 s24;
	p2 =	seq.s32 s23, $0xF80  }
.Ltmp16:
0x10d: {  	s23 =	sadd.s32 $0x80, s23;
	(pc) =	sbr.rel @!p2 .LBB2_37-.Ltmp16, $2  }
0x10e: {  	_ =	sdelay $0x2  }
0x10f: {  	s24 =	sadd.s32 $0x100, s24;
	s25 =	sadd.s32 s25, s21  }
0x110: {  	[hbm4b:s25+s4] =	stream.linear.scatter [tilespmem:s22], [sflag:s20], $0x80, $0x38;
	[tilespmem:$0x1C700] =	vst v63  }
0x111: {  	p2 =	seq.s32 s19, $0x32  }
.Ltmp17:
0x112: {  	_ = 	snop;
	(pc) =	sbr.rel @!p2 .LBB2_26-.Ltmp17, $2  }
0x113: {  	_ =	sdelay $0x2  }
0x114: {  	p0 =	por !p0, !p0;
	p1 =	por !p1, !p1;
	s20 =	smov.u32 s19  }
0x115: {  	s18 =	sadd.s32 $0x1, s18  }
0x116: {  	_ =	swait.ge [sflag:s16], $0x1000;
	p0 =	sne.s32 s18, s12  }
.Ltmp18:
0x117: {  	[sflag:s16] =	ssyncset.done $0x0;
	(pc) =	sbr.rel @p0 .LBB2_1-.Ltmp18, $4  }
0x118: {  	[sflag:s16] =	ssyncadd.s32 $0xFFFFF000  }
0x119: {  	_ =	swait.ge [sflag:s17], $0x1000  }
0x11a: {  	[sflag:s17] =	ssyncset.done $0x0  }
0x11b: {  	[sflag:s17] =	ssyncadd.s32 $0xFFFFF000  }
0x11c: {  	_ =	sfence.sel $0x180000  }
0x11d: {  	[bflag:$0x0] =	sbarrier.arrive $0xFFFF  }
0x11e: {  	p0 =	sne.s32 s3, $0x0;
	_ =	strace $0x90000047  }
0x11f: {  	s0 =	sadd.s32 @!p0 $0x100000, s0;
	[bflag:$0x2] =	sbarrier.arrive $0xFFFF  }
0x120: {  	[sflag:s0] =	ssyncadd.tile.s32 @!p0 $0x1;
	_ =	shalt  }
.Lfunc_end2:
_tile_overlayer_lowered:
.L_overlay_start_2:
0x121: {  	(tag) =	ssettag $0x2  }
0x122: {  	s0 =	rddreg [dreg:$0x0];
	s2 =	stileid.u32  }
0x123: {  	s1 =	rddreg [dreg:$0x1];
	p0 =	sne.s32 s2, $0x0  }
0x124: {  	s3 =	rddreg [dreg:$0x2];
	[bflag:$0x3] =	sbarrier.arrive $0xFFFF;
	s2 =	simm.s32 @!p0 $0x1C07  }
0x125: {  	[timem:s3], [sflag:s2] =	dma.local @!p0 [hbm:s0], s1  }
0x126: {  	s0 =	simm.s32 @!p0 $0x7  }
0x127: {  	_ =	swait.ge @!p0 [sflag:s0], s1  }
0x128: {  	s1 =	ssub.s32 @!p0 $0x0, s1;
	[sflag:s0] =	ssyncset.done @!p0 $0x0  }
0x129: {  	[sflag:s0] =	ssyncadd.s32 @!p0 s1  }
0x12a: {  	[bflag:$0x3] =	sbarrier.arrive $0xFFFF  }
0x12b: {  	_ =	shalt  }

</sc_bundles>
